<compile_context>
chip_gen: v7x
topology: tpu7x:2x2x1
jax: 0.10.2.dev20260603
libtpu: 0.0.44.dev20260713+nightly
codegen_flags: <defaults>
</compile_context>

<pallas_src>
import functools

import jax
import jax.numpy as jnp
from jax import lax
from jax.experimental import pallas as pl
from jax.experimental.pallas import tpu as pltpu
from jax.experimental.pallas import tpu_sc as plsc

N = 10000
P = 40000
L = 16
IN_DIM = 128
HID = 128
OUT_DIM = 64

NC = 2
NS = 16
NW = NC * NS
PPAD = 40960
PERMS_PER_TILE = PPAD // NW
CHUNK = 16
NCHUNK = PERMS_PER_TILE // CHUNK
ROWS = CHUNK * L
NPOOL = 10240
ZROWS = NPOOL // NS


def _matmul_body(a_ref, b_ref, o_ref):
    o_ref[...] = jnp.dot(a_ref[...], b_ref[...],
                         preferred_element_type=jnp.float32)


def _compute_g(nfeat, wt):
    bm = 400
    return pl.pallas_call(
        _matmul_body,
        grid=(N // bm,),
        in_specs=[
            pl.BlockSpec((bm, IN_DIM), lambda i: (i, 0)),
            pl.BlockSpec((IN_DIM, L * HID), lambda i: (0, 0)),
        ],
        out_specs=pl.BlockSpec((bm, L * HID), lambda i: (i, 0)),
        out_shape=jax.ShapeDtypeStruct((N, L * HID), jnp.float32),
    )(nfeat, wt)


_MESH = plsc.VectorSubcoreMesh(core_axis_name="c", subcore_axis_name="s")


@functools.partial(
    pl.kernel,
    out_type=jax.ShapeDtypeStruct((NC, NPOOL, HID), jnp.float32),
    mesh=_MESH,
    scratch_types=[
        pltpu.VMEM((NCHUNK, CHUNK), jnp.int32),
        pltpu.VMEM((ROWS,), jnp.int32),
        pltpu.VMEM((2, 128), jnp.int32),
        pltpu.VMEM((ROWS, HID), jnp.float32),
        pltpu.VMEM((CHUNK, HID), jnp.float32),
        pltpu.VMEM((HID,), jnp.float32),
        pltpu.VMEM_SHARED((NPOOL, HID), jnp.float32),
        pltpu.SemaphoreType.DMA,
        pltpu.SemaphoreType.DMA,
    ],
)
def _sc_pool(g_hbm, idx_hbm, pni_hbm, bias_hbm, out_hbm,
             pni_v, idx_v, flat_v, rows_v, hperm_v, bias_v, pool_sh,
             sem0, sem1):
    cid = lax.axis_index("c")
    sid = lax.axis_index("s")
    wid = cid * NS + sid

    zeros16 = jnp.zeros((16,), jnp.float32)

    def zero_row(i, _):
        for c in range(HID // 16):
            rows_v[i, pl.ds(c * 16, 16)] = zeros16
        return 0

    lax.fori_loop(0, ROWS, zero_row, 0)
    zbase = sid * ZROWS
    pltpu.sync_copy(rows_v, pool_sh.at[pl.ds(zbase, ROWS)])
    pltpu.sync_copy(rows_v, pool_sh.at[pl.ds(zbase + ROWS, ROWS)])
    pltpu.sync_copy(rows_v.at[pl.ds(0, ZROWS - 2 * ROWS)],
                    pool_sh.at[pl.ds(zbase + 2 * ROWS, ZROWS - 2 * ROWS)])
    plsc.subcore_barrier()

    pltpu.sync_copy(bias_hbm, bias_v)
    pltpu.sync_copy(pni_hbm.at[wid], pni_v)
    lanes = lax.iota(jnp.int32, 16)

    def chunk_body(it, _):
        pltpu.sync_copy(idx_hbm.at[wid, it], idx_v)
        for k in range(ROWS // 16):
            v = idx_v[pl.ds(k * 16, 16)]
            flat_v[k // 8, pl.ds((k % 8) * 16, 16)] = v * L + lanes
        cp0 = pltpu.make_async_copy(g_hbm.at[flat_v.at[0]],
                                    rows_v.at[pl.ds(0, 128)], sem0)
        cp1 = pltpu.make_async_copy(g_hbm.at[flat_v.at[1]],
                                    rows_v.at[pl.ds(128, 128)], sem1)
        cp0.start()
        cp1.start()
        cp0.wait()
        cp1.wait()

        def perm_body(p, _):
            r0 = p * L
            for c in range(HID // 16):
                acc = rows_v[r0, pl.ds(c * 16, 16)]
                for a in range(1, L):
                    acc = acc + rows_v[r0 + a, pl.ds(c * 16, 16)]
                acc = jnp.maximum(acc + bias_v[pl.ds(c * 16, 16)], 0.0)
                hperm_v[p, pl.ds(c * 16, 16)] = acc
            return 0

        lax.fori_loop(0, CHUNK, perm_body, 0)
        pltpu.sync_copy(hperm_v, pool_sh.at[pni_v.at[it]], add=True)
        return 0

    lax.fori_loop(0, NCHUNK, chunk_body, 0)

    plsc.subcore_barrier()
    pltpu.sync_copy(pool_sh.at[pl.ds(zbase, ZROWS)],
                    out_hbm.at[cid, pl.ds(zbase, ZROWS)])


def _final_body(pooled_ref, degs_ref, w0_ref, b0_ref, w1_ref, b1_ref,
                wf_ref, bf_ref, o_ref):
    pooled = pooled_ref[0] + pooled_ref[1]
    f = jnp.maximum(degs_ref[...] * w0_ref[...] + b0_ref[...], 0.0)
    f = jnp.dot(f, w1_ref[...], preferred_element_type=jnp.float32) + b1_ref[...]
    node_h = jnp.maximum(pooled * f, 0.0)
    o_ref[...] = jnp.dot(node_h, wf_ref[...],
                         preferred_element_type=jnp.float32) + bf_ref[...]


def _final(pooled2, degs, w0t, b0, w1t, b1, wft, bf):
    bm = 400
    return pl.pallas_call(
        _final_body,
        grid=(N // bm,),
        in_specs=[
            pl.BlockSpec((NC, bm, HID), lambda i: (0, i, 0)),
            pl.BlockSpec((bm, 1), lambda i: (i, 0)),
            pl.BlockSpec((1, 2 * HID), lambda i: (0, 0)),
            pl.BlockSpec((1, 2 * HID), lambda i: (0, 0)),
            pl.BlockSpec((2 * HID, HID), lambda i: (0, 0)),
            pl.BlockSpec((1, HID), lambda i: (0, 0)),
            pl.BlockSpec((HID, OUT_DIM), lambda i: (0, 0)),
            pl.BlockSpec((1, OUT_DIM), lambda i: (0, 0)),
        ],
        out_specs=pl.BlockSpec((bm, OUT_DIM), lambda i: (i, 0)),
        out_shape=jax.ShapeDtypeStruct((N, OUT_DIM), jnp.float32),
    )(pooled2, degs, w0t, b0, w1t, b1, wft, bf)


def kernel(nfeat, degs, row_node_idx, perm_node_idx, W, bias, W0, b0, W1, b1,
           Wf, bf):
    wt = jnp.transpose(W, (0, 2, 1)).reshape(IN_DIM, L * HID)
    g = _compute_g(nfeat, wt).reshape(N * L, HID)

    idx = row_node_idx.astype(jnp.int32)
    pni = perm_node_idx.astype(jnp.int32)
    idx_p = jnp.concatenate(
        [idx, jnp.zeros(((PPAD - P) * L,), jnp.int32)]).reshape(NW, NCHUNK, ROWS)
    pni_p = jnp.concatenate(
        [pni, jnp.full((PPAD - P,), N, jnp.int32)]).reshape(NW, NCHUNK, CHUNK)

    pooled2 = _sc_pool(g, idx_p, pni_p, bias.reshape(HID))

    return _final(pooled2, degs.reshape(N, 1),
                  W0.reshape(1, 2 * HID), b0.reshape(1, 2 * HID),
                  jnp.transpose(W1), b1.reshape(1, HID),
                  jnp.transpose(Wf), bf.reshape(1, OUT_DIM))

# --- scband reference (transcript-rebuilt; emitter-appended) ---
"""Pipeline reference for scband-lrp-34351148434252 (READ-ONLY COPY).

The authoritative reference and input builder live on the scoring server;
editing this copy changes nothing except your own understanding.
"""

import jax, jax.numpy as jnp
import numpy as np

N = 10000      # nodes
P = 40000      # total permutations (4 per node)
L = 16         # lrp_length
IN_DIM = 128   # lrp_in_dim / input_dim
HID = 128      # lrp_out_dim / hid_dim
OUT_DIM = 64   # output_dim of final_predict


def setup_inputs(seed: int = 0) -> dict:
    key = jax.random.key(seed)
    ks = jax.random.split(key, 10)
    nfeat = jax.random.normal(ks[0], (N, IN_DIM), dtype=jnp.float32)
    degs = jax.random.uniform(ks[1], (N,), dtype=jnp.float32) * 16.0
    # n_to_perm_length sparse matrix has one nonzero (==1.0) per row: sp.mm == row gather
    row_node_idx = jax.random.randint(ks[2], (P * L,), 0, N, dtype=jnp.int64)
    # pooling sparse matrix: each perm contributes to exactly one node: sp.mm == segment_sum
    perm_node_idx = jnp.sort(jax.random.randint(ks[3], (P,), 0, N, dtype=jnp.int64))
    W = jax.random.normal(ks[4], (IN_DIM, HID, L), dtype=jnp.float32)  # LRP_layer.weights
    bias = jnp.zeros((1, HID), dtype=jnp.float32)                      # LRP_layer.bias
    W0 = jax.random.normal(ks[5], (2 * HID, 1), dtype=jnp.float32) * 0.1   # degnet_0
    b0 = jnp.zeros((2 * HID,), dtype=jnp.float32)
    W1 = jax.random.normal(ks[6], (HID, 2 * HID), dtype=jnp.float32) * 0.1  # degnet_1
    b1 = jnp.zeros((HID,), dtype=jnp.float32)
    Wf = jax.random.normal(ks[7], (OUT_DIM, HID), dtype=jnp.float32) * 0.1  # final_predict
    bf = jnp.zeros((OUT_DIM,), dtype=jnp.float32)
    return dict(nfeat=nfeat, degs=degs, row_node_idx=row_node_idx,
                perm_node_idx=perm_node_idx, W=W, bias=bias,
                W0=W0, b0=b0, W1=W1, b1=b1, Wf=Wf, bf=bf)


def reference(nfeat, degs, row_node_idx, perm_node_idx, W, bias, W0, b0, W1, b1, Wf, bf):
    # tsp.mm(n_to_perm_length_sp_matrix, nfeat) with 1 nnz per row -> gather
    h = jnp.take(nfeat, row_node_idx, axis=0)                # [P*L, IN_DIM]
    # .transpose(0,1).view(in, -1, L).permute(1,2,0)
    h = jnp.transpose(h).reshape(IN_DIM, -1, L)              # [IN_DIM, P, L]
    h = jnp.transpose(h, (1, 2, 0))                          # [P, L, IN_DIM]
    h = jax.nn.relu(jnp.einsum('dab,bca->dc', h, W) + bias)  # [P, HID]
    # tsp.mm(pooling_matrix, h): sum-pool perms into their node -> segment_sum
    pooled = jax.ops.segment_sum(h, perm_node_idx, num_segments=N)  # [N, HID]
    # degnet_1(relu(degnet_0(degs.unsqueeze(1))))
    f = jax.nn.relu(degs[:, None] @ W0.T + b0)               # [N, 2*HID]
    f = f @ W1.T + b1                                        # [N, HID]
    node_h = jax.nn.relu(pooled * f)                         # einsum('ab,ab->ab') == elementwise
    out = node_h @ Wf.T + bf                                 # final_predict
    return out

if __name__ == "__main__":
    import jax
    _d = setup_inputs()
    print(jax.jit(kernel)(*tuple(_d.values())))

</pallas_src>

<mosaic_0001>
#map = affine_map<(d0, d1) -> (0, 0)>
#map1 = affine_map<(d0, d1) -> (0, 0, 0)>
#map2 = affine_map<(d0, d1) -> (0)>
module attributes {stable_mosaic.version = 14 : i64} {
  func.func @_sc_pool(%arg0: i32, %arg1: i32, %arg2: memref<160000x128xf32, #tpu.memory_space<hbm>>, %arg3: memref<32x80x256xi32, #tpu.memory_space<hbm>>, %arg4: memref<32x80x16xi32, #tpu.memory_space<hbm>>, %arg5: memref<128xf32, #tpu.memory_space<hbm>>, %arg6: memref<2x10240x128xf32, #tpu.memory_space<hbm>>, %arg7: memref<80x16xi32, #tpu.memory_space<vmem>>, %arg8: memref<256xi32, #tpu.memory_space<vmem>>, %arg9: memref<2x128xi32, #tpu.memory_space<vmem>>, %arg10: memref<256x128xf32, #tpu.memory_space<vmem>>, %arg11: memref<16x128xf32, #tpu.memory_space<vmem>>, %arg12: memref<128xf32, #tpu.memory_space<vmem>>, %arg13: memref<10240x128xf32, #tpu.memory_space<vmem_shared>>, %arg14: memref<!tpu.dma_semaphore, #tpu.memory_space<semaphore_mem>>, %arg15: memref<!tpu.dma_semaphore, #tpu.memory_space<semaphore_mem>>) attributes {dimension_semantics = [#tpu.dimension_semantics<core_parallel>, #tpu.dimension_semantics<subcore_parallel>], iteration_bounds = array<i64: 2, 16>, scalar_prefetch = 0 : i64, scratch_operands = 9 : i64, tpu.core_type = #tpu.core_type<sc_vector_subcore>, window_params = [{transform_indices = #map}, {transform_indices = #map1}, {transform_indices = #map1}, {transform_indices = #map2}, {transform_indices = #map1}]} {
    %mul3A = arith.constant 16 : i32
    %mul3A_0 = arith.muli %arg0, %mul3A : i32
    %add3A = arith.addi %mul3A_0, %arg1 : i32
    %broadcast_in_dim3A = arith.constant 0.000000e+00 : f32
    %broadcast_in_dim3A_1 = vector.broadcast %broadcast_in_dim3A : f32 to vector<16xf32>
    %scan3A = arith.constant 0 : i32
    %scan3A_2 = arith.constant 0 : i32
    %scan3A_3 = arith.constant 256 : i32
    %scan3A_4 = arith.addi %scan3A_2, %scan3A_3 : i32
    %scan3A_5 = arith.constant 1 : i32
    %scan3A_6 = scf.for %scan3A_22 = %scan3A_2 to %scan3A_4 step %scan3A_5 iter_args(%scan3A_23 = %scan3A) -> (i32)  : i32 {
      %swap3A = arith.index_cast %scan3A_22 : i32 to index
      %swap3A_24 = arith.constant 0 : index
      %swap3A_25 = tpu.vector_load %arg10[%swap3A, %swap3A_24] {strides = array<i32>} : memref<256x128xf32, #tpu.memory_space<vmem>>, vector<1x16xf32>,
      %swap3A_26 = vector.shape_cast %swap3A_25 : vector<1x16xf32> to vector<16xf32>
      %swap3A_27 = vector.shape_cast %broadcast_in_dim3A_1 : vector<16xf32> to vector<1x16xf32>
      tpu.vector_store %arg10[%swap3A, %swap3A_24], %swap3A_27 {strides = array<i32>} : memref<256x128xf32, #tpu.memory_space<vmem>>, vector<1x16xf32>,
      %swap3A_28 = arith.index_cast %scan3A_22 : i32 to index
      %swap3A_29 = arith.constant 16 : index
      %swap3A_30 = tpu.vector_load %arg10[%swap3A_28, %swap3A_29] {strides = array<i32>} : memref<256x128xf32, #tpu.memory_space<vmem>>, vector<1x16xf32>,
      %swap3A_31 = vector.shape_cast %swap3A_30 : vector<1x16xf32> to vector<16xf32>
      %swap3A_32 = vector.shape_cast %broadcast_in_dim3A_1 : vector<16xf32> to vector<1x16xf32>
      tpu.vector_store %arg10[%swap3A_28, %swap3A_29], %swap3A_32 {strides = array<i32>} : memref<256x128xf32, #tpu.memory_space<vmem>>, vector<1x16xf32>,
      %swap3A_33 = arith.index_cast %scan3A_22 : i32 to index
      %swap3A_34 = arith.constant 32 : index
      %swap3A_35 = tpu.vector_load %arg10[%swap3A_33, %swap3A_34] {strides = array<i32>} : memref<256x128xf32, #tpu.memory_space<vmem>>, vector<1x16xf32>,
      %swap3A_36 = vector.shape_cast %swap3A_35 : vector<1x16xf32> to vector<16xf32>
      %swap3A_37 = vector.shape_cast %broadcast_in_dim3A_1 : vector<16xf32> to vector<1x16xf32>
      tpu.vector_store %arg10[%swap3A_33, %swap3A_34], %swap3A_37 {strides = array<i32>} : memref<256x128xf32, #tpu.memory_space<vmem>>, vector<1x16xf32>,
      %swap3A_38 = arith.index_cast %scan3A_22 : i32 to index
      %swap3A_39 = arith.constant 48 : index
      %swap3A_40 = tpu.vector_load %arg10[%swap3A_38, %swap3A_39] {strides = array<i32>} : memref<256x128xf32, #tpu.memory_space<vmem>>, vector<1x16xf32>,
      %swap3A_41 = vector.shape_cast %swap3A_40 : vector<1x16xf32> to vector<16xf32>
      %swap3A_42 = vector.shape_cast %broadcast_in_dim3A_1 : vector<16xf32> to vector<1x16xf32>
      tpu.vector_store %arg10[%swap3A_38, %swap3A_39], %swap3A_42 {strides = array<i32>} : memref<256x128xf32, #tpu.memory_space<vmem>>, vector<1x16xf32>,
      %swap3A_43 = arith.index_cast %scan3A_22 : i32 to index
      %swap3A_44 = arith.constant 64 : index
      %swap3A_45 = tpu.vector_load %arg10[%swap3A_43, %swap3A_44] {strides = array<i32>} : memref<256x128xf32, #tpu.memory_space<vmem>>, vector<1x16xf32>,
      %swap3A_46 = vector.shape_cast %swap3A_45 : vector<1x16xf32> to vector<16xf32>
      %swap3A_47 = vector.shape_cast %broadcast_in_dim3A_1 : vector<16xf32> to vector<1x16xf32>
      tpu.vector_store %arg10[%swap3A_43, %swap3A_44], %swap3A_47 {strides = array<i32>} : memref<256x128xf32, #tpu.memory_space<vmem>>, vector<1x16xf32>,
      %swap3A_48 = arith.index_cast %scan3A_22 : i32 to index
      %swap3A_49 = arith.constant 80 : index
      %swap3A_50 = tpu.vector_load %arg10[%swap3A_48, %swap3A_49] {strides = array<i32>} : memref<256x128xf32, #tpu.memory_space<vmem>>, vector<1x16xf32>,
      %swap3A_51 = vector.shape_cast %swap3A_50 : vector<1x16xf32> to vector<16xf32>
      %swap3A_52 = vector.shape_cast %broadcast_in_dim3A_1 : vector<16xf32> to vector<1x16xf32>
      tpu.vector_store %arg10[%swap3A_48, %swap3A_49], %swap3A_52 {strides = array<i32>} : memref<256x128xf32, #tpu.memory_space<vmem>>, vector<1x16xf32>,
      %swap3A_53 = arith.index_cast %scan3A_22 : i32 to index
      %swap3A_54 = arith.constant 96 : index
      %swap3A_55 = tpu.vector_load %arg10[%swap3A_53, %swap3A_54] {strides = array<i32>} : memref<256x128xf32, #tpu.memory_space<vmem>>, vector<1x16xf32>,
      %swap3A_56 = vector.shape_cast %swap3A_55 : vector<1x16xf32> to vector<16xf32>
      %swap3A_57 = vector.shape_cast %broadcast_in_dim3A_1 : vector<16xf32> to vector<1x16xf32>
      tpu.vector_store %arg10[%swap3A_53, %swap3A_54], %swap3A_57 {strides = array<i32>} : memref<256x128xf32, #tpu.memory_space<vmem>>, vector<1x16xf32>,
      %swap3A_58 = arith.index_cast %scan3A_22 : i32 to index
      %swap3A_59 = arith.constant 112 : index
      %swap3A_60 = tpu.vector_load %arg10[%swap3A_58, %swap3A_59] {strides = array<i32>} : memref<256x128xf32, #tpu.memory_space<vmem>>, vector<1x16xf32>,
      %swap3A_61 = vector.shape_cast %swap3A_60 : vector<1x16xf32> to vector<16xf32>
      %swap3A_62 = vector.shape_cast %broadcast_in_dim3A_1 : vector<16xf32> to vector<1x16xf32>
      tpu.vector_store %arg10[%swap3A_58, %swap3A_59], %swap3A_62 {strides = array<i32>} : memref<256x128xf32, #tpu.memory_space<vmem>>, vector<1x16xf32>,
      %scan3A_63 = arith.constant 0 : i32
      scf.yield %scan3A_63 : i32
    }
    %scan3A_7 = arith.constant 256 : i32
    %mul3A_8 = arith.constant 640 : i32
    %mul3A_9 = arith.muli %arg1, %mul3A_8 : i32
    "tpu.region"() ({
      %run_scoped3A = tpu.sem_alloc : memref<!tpu.dma_semaphore, #tpu.memory_space<semaphore_mem>>
      %dma_start3A = arith.constant 0 : i32
      %dma_start3A_22 = tpu.memref_slice %arg13[%mul3A_9, %dma_start3A] : memref<10240x128xf32, #tpu.memory_space<vmem_shared>> -> memref<256x128xf32, #tpu.memory_space<vmem_shared>>
      %dma_start3A_23 = arith.constant 0 : i32
      %dma_start3A_24 = tpu.memref_slice %arg13[%mul3A_9, %dma_start3A_23] : memref<10240x128xf32, #tpu.memory_space<vmem_shared>> -> memref<256x128xf32, #tpu.memory_space<vmem_shared>>
      tpu.enqueue_dma source(%arg10 : memref<256x128xf32, #tpu.memory_space<vmem>>) target(%dma_start3A_24 : memref<256x128xf32, #tpu.memory_space<vmem_shared>>) target_semaphore(%run_scoped3A : memref<!tpu.dma_semaphore, #tpu.memory_space<semaphore_mem>>)
      %dma_wait3A = arith.constant 0 : i32
      %dma_wait3A_25 = tpu.memref_slice %arg13[%mul3A_9, %dma_wait3A] : memref<10240x128xf32, #tpu.memory_space<vmem_shared>> -> memref<256x128xf32, #tpu.memory_space<vmem_shared>>
      %dma_wait3A_26 = arith.constant 0 : i32
      %dma_wait3A_27 = tpu.memref_slice %arg13[%mul3A_9, %dma_wait3A_26] : memref<10240x128xf32, #tpu.memory_space<vmem_shared>> -> memref<256x128xf32, #tpu.memory_space<vmem_shared>>
      tpu.wait_dma2 semaphore(%run_scoped3A : memref<!tpu.dma_semaphore, #tpu.memory_space<semaphore_mem>>) src(%arg10 : memref<256x128xf32, #tpu.memory_space<vmem>>) dst(%dma_wait3A_27 : memref<256x128xf32, #tpu.memory_space<vmem_shared>>)
      tpu.yield
    }) : () -> ()
    %add3A_10 = arith.constant 256 : i32
    %add3A_11 = arith.addi %mul3A_9, %add3A_10 : i32
    "tpu.region"() ({
      %run_scoped3A = tpu.sem_alloc : memref<!tpu.dma_semaphore, #tpu.memory_space<semaphore_mem>>
      %dma_start3A = arith.constant 0 : i32
      %dma_start3A_22 = tpu.memref_slice %arg13[%add3A_11, %dma_start3A] : memref<10240x128xf32, #tpu.memory_space<vmem_shared>> -> memref<256x128xf32, #tpu.memory_space<vmem_shared>>
      %dma_start3A_23 = arith.constant 0 : i32
      %dma_start3A_24 = tpu.memref_slice %arg13[%add3A_11, %dma_start3A_23] : memref<10240x128xf32, #tpu.memory_space<vmem_shared>> -> memref<256x128xf32, #tpu.memory_space<vmem_shared>>
      tpu.enqueue_dma source(%arg10 : memref<256x128xf32, #tpu.memory_space<vmem>>) target(%dma_start3A_24 : memref<256x128xf32, #tpu.memory_space<vmem_shared>>) target_semaphore(%run_scoped3A : memref<!tpu.dma_semaphore, #tpu.memory_space<semaphore_mem>>)
      %dma_wait3A = arith.constant 0 : i32
      %dma_wait3A_25 = tpu.memref_slice %arg13[%add3A_11, %dma_wait3A] : memref<10240x128xf32, #tpu.memory_space<vmem_shared>> -> memref<256x128xf32, #tpu.memory_space<vmem_shared>>
      %dma_wait3A_26 = arith.constant 0 : i32
      %dma_wait3A_27 = tpu.memref_slice %arg13[%add3A_11, %dma_wait3A_26] : memref<10240x128xf32, #tpu.memory_space<vmem_shared>> -> memref<256x128xf32, #tpu.memory_space<vmem_shared>>
      tpu.wait_dma2 semaphore(%run_scoped3A : memref<!tpu.dma_semaphore, #tpu.memory_space<semaphore_mem>>) src(%arg10 : memref<256x128xf32, #tpu.memory_space<vmem>>) dst(%dma_wait3A_27 : memref<256x128xf32, #tpu.memory_space<vmem_shared>>)
      tpu.yield
    }) : () -> ()
    %add3A_12 = arith.constant 512 : i32
    %add3A_13 = arith.addi %mul3A_9, %add3A_12 : i32
    "tpu.region"() ({
      %run_scoped3A = tpu.sem_alloc : memref<!tpu.dma_semaphore, #tpu.memory_space<semaphore_mem>>
      %dma_start3A = arith.constant 0 : i32
      %dma_start3A_22 = arith.constant 0 : i32
      %dma_start3A_23 = tpu.memref_slice %arg10[%dma_start3A, %dma_start3A_22] : memref<256x128xf32, #tpu.memory_space<vmem>> -> memref<128x128xf32, #tpu.memory_space<vmem>>
      %dma_start3A_24 = arith.constant 0 : i32
      %dma_start3A_25 = tpu.memref_slice %arg13[%add3A_13, %dma_start3A_24] : memref<10240x128xf32, #tpu.memory_space<vmem_shared>> -> memref<128x128xf32, #tpu.memory_space<vmem_shared>>
      %dma_start3A_26 = arith.constant 0 : i32
      %dma_start3A_27 = tpu.memref_slice %arg13[%add3A_13, %dma_start3A_26] : memref<10240x128xf32, #tpu.memory_space<vmem_shared>> -> memref<128x128xf32, #tpu.memory_space<vmem_shared>>
      %dma_start3A_28 = arith.constant 0 : i32
      %dma_start3A_29 = arith.constant 0 : i32
      %dma_start3A_30 = tpu.memref_slice %arg10[%dma_start3A_28, %dma_start3A_29] : memref<256x128xf32, #tpu.memory_space<vmem>> -> memref<128x128xf32, #tpu.memory_space<vmem>>
      tpu.enqueue_dma source(%dma_start3A_30 : memref<128x128xf32, #tpu.memory_space<vmem>>) target(%dma_start3A_27 : memref<128x128xf32, #tpu.memory_space<vmem_shared>>) target_semaphore(%run_scoped3A : memref<!tpu.dma_semaphore, #tpu.memory_space<semaphore_mem>>)
      %dma_wait3A = arith.constant 0 : i32
      %dma_wait3A_31 = arith.constant 0 : i32
      %dma_wait3A_32 = tpu.memref_slice %arg10[%dma_wait3A, %dma_wait3A_31] : memref<256x128xf32, #tpu.memory_space<vmem>> -> memref<128x128xf32, #tpu.memory_space<vmem>>
      %dma_wait3A_33 = arith.constant 0 : i32
      %dma_wait3A_34 = tpu.memref_slice %arg13[%add3A_13, %dma_wait3A_33] : memref<10240x128xf32, #tpu.memory_space<vmem_shared>> -> memref<128x128xf32, #tpu.memory_space<vmem_shared>>
      %dma_wait3A_35 = arith.constant 0 : i32
      %dma_wait3A_36 = tpu.memref_slice %arg13[%add3A_13, %dma_wait3A_35] : memref<10240x128xf32, #tpu.memory_space<vmem_shared>> -> memref<128x128xf32, #tpu.memory_space<vmem_shared>>
      %dma_wait3A_37 = arith.constant 0 : i32
      %dma_wait3A_38 = arith.constant 0 : i32
      %dma_wait3A_39 = tpu.memref_slice %arg10[%dma_wait3A_37, %dma_wait3A_38] : memref<256x128xf32, #tpu.memory_space<vmem>> -> memref<128x128xf32, #tpu.memory_space<vmem>>
      tpu.wait_dma2 semaphore(%run_scoped3A : memref<!tpu.dma_semaphore, #tpu.memory_space<semaphore_mem>>) src(%dma_wait3A_39 : memref<128x128xf32, #tpu.memory_space<vmem>>) dst(%dma_wait3A_36 : memref<128x128xf32, #tpu.memory_space<vmem_shared>>)
      tpu.yield
    }) : () -> ()
    %barrier3A = arith.constant 0 : index
    tpu.barrier barrier_id(%barrier3A)
    "tpu.region"() ({
      %run_scoped3A = tpu.sem_alloc : memref<!tpu.dma_semaphore, #tpu.memory_space<semaphore_mem>>
      tpu.enqueue_dma source(%arg5 : memref<128xf32, #tpu.memory_space<hbm>>) target(%arg12 : memref<128xf32, #tpu.memory_space<vmem>>) target_semaphore(%run_scoped3A : memref<!tpu.dma_semaphore, #tpu.memory_space<semaphore_mem>>)
      tpu.wait_dma2 semaphore(%run_scoped3A : memref<!tpu.dma_semaphore, #tpu.memory_space<semaphore_mem>>) src(%arg5 : memref<128xf32, #tpu.memory_space<hbm>>) dst(%arg12 : memref<128xf32, #tpu.memory_space<vmem>>)
      tpu.yield
    }) : () -> ()
    "tpu.region"() ({
      %run_scoped3A = tpu.sem_alloc : memref<!tpu.dma_semaphore, #tpu.memory_space<semaphore_mem>>
      %dma_start3A = arith.constant 0 : i32
      %dma_start3A_22 = arith.constant 0 : i32
      %dma_start3A_23 = tpu.memref_slice %arg4[%add3A, %dma_start3A, %dma_start3A_22] : memref<32x80x16xi32, #tpu.memory_space<hbm>> -> memref<1x80x16xi32, #tpu.memory_space<hbm>>
      %dma_start3A_24 = tpu.memref_squeeze %dma_start3A_23 : memref<1x80x16xi32, #tpu.memory_space<hbm>> -> memref<80x16xi32, #tpu.memory_space<hbm>>
      %dma_start3A_25 = arith.constant 0 : i32
      %dma_start3A_26 = arith.constant 0 : i32
      %dma_start3A_27 = tpu.memref_slice %arg4[%add3A, %dma_start3A_25, %dma_start3A_26] : memref<32x80x16xi32, #tpu.memory_space<hbm>> -> memref<1x80x16xi32, #tpu.memory_space<hbm>>
      %dma_start3A_28 = tpu.memref_squeeze %dma_start3A_27 : memref<1x80x16xi32, #tpu.memory_space<hbm>> -> memref<80x16xi32, #tpu.memory_space<hbm>>
      tpu.enqueue_dma source(%dma_start3A_28 : memref<80x16xi32, #tpu.memory_space<hbm>>) target(%arg7 : memref<80x16xi32, #tpu.memory_space<vmem>>) target_semaphore(%run_scoped3A : memref<!tpu.dma_semaphore, #tpu.memory_space<semaphore_mem>>)
      %dma_wait3A = arith.constant 0 : i32
      %dma_wait3A_29 = arith.constant 0 : i32
      %dma_wait3A_30 = tpu.memref_slice %arg4[%add3A, %dma_wait3A, %dma_wait3A_29] : memref<32x80x16xi32, #tpu.memory_space<hbm>> -> memref<1x80x16xi32, #tpu.memory_space<hbm>>
      %dma_wait3A_31 = tpu.memref_squeeze %dma_wait3A_30 : memref<1x80x16xi32, #tpu.memory_space<hbm>> -> memref<80x16xi32, #tpu.memory_space<hbm>>
      %dma_wait3A_32 = arith.constant 0 : i32
      %dma_wait3A_33 = arith.constant 0 : i32
      %dma_wait3A_34 = tpu.memref_slice %arg4[%add3A, %dma_wait3A_32, %dma_wait3A_33] : memref<32x80x16xi32, #tpu.memory_space<hbm>> -> memref<1x80x16xi32, #tpu.memory_space<hbm>>
      %dma_wait3A_35 = tpu.memref_squeeze %dma_wait3A_34 : memref<1x80x16xi32, #tpu.memory_space<hbm>> -> memref<80x16xi32, #tpu.memory_space<hbm>>
      tpu.wait_dma2 semaphore(%run_scoped3A : memref<!tpu.dma_semaphore, #tpu.memory_space<semaphore_mem>>) src(%dma_wait3A_35 : memref<80x16xi32, #tpu.memory_space<hbm>>) dst(%arg7 : memref<80x16xi32, #tpu.memory_space<vmem>>)
      tpu.yield
    }) : () -> ()
    %iota3A = tpu.iota {dimensions = array<i32: 0>} : vector<16xi32>
    %scan3A_14 = arith.constant 0 : i32
    %scan3A_15 = arith.constant 0 : i32
    %scan3A_16 = arith.constant 80 : i32
    %scan3A_17 = arith.addi %scan3A_15, %scan3A_16 : i32
    %scan3A_18 = arith.constant 1 : i32
    %scan3A_19 = scf.for %scan3A_22 = %scan3A_15 to %scan3A_17 step %scan3A_18 iter_args(%scan3A_23 = %scan3A_14) -> (i32)  : i32 {
      "tpu.region"() ({
        %run_scoped3A = tpu.sem_alloc : memref<!tpu.dma_semaphore, #tpu.memory_space<semaphore_mem>>
        %dma_start3A_276 = arith.constant 0 : i32
        %dma_start3A_277 = tpu.memref_slice %arg3[%add3A, %scan3A_22, %dma_start3A_276] : memref<32x80x256xi32, #tpu.memory_space<hbm>> -> memref<1x1x256xi32, #tpu.memory_space<hbm>>
        %dma_start3A_278 = tpu.memref_squeeze %dma_start3A_277 : memref<1x1x256xi32, #tpu.memory_space<hbm>> -> memref<256xi32, #tpu.memory_space<hbm>>
        %dma_start3A_279 = arith.constant 0 : i32
        %dma_start3A_280 = tpu.memref_slice %arg3[%add3A, %scan3A_22, %dma_start3A_279] : memref<32x80x256xi32, #tpu.memory_space<hbm>> -> memref<1x1x256xi32, #tpu.memory_space<hbm>>
        %dma_start3A_281 = tpu.memref_squeeze %dma_start3A_280 : memref<1x1x256xi32, #tpu.memory_space<hbm>> -> memref<256xi32, #tpu.memory_space<hbm>>
        tpu.enqueue_dma source(%dma_start3A_281 : memref<256xi32, #tpu.memory_space<hbm>>) target(%arg8 : memref<256xi32, #tpu.memory_space<vmem>>) target_semaphore(%run_scoped3A : memref<!tpu.dma_semaphore, #tpu.memory_space<semaphore_mem>>)
        %dma_wait3A_282 = arith.constant 0 : i32
        %dma_wait3A_283 = tpu.memref_slice %arg3[%add3A, %scan3A_22, %dma_wait3A_282] : memref<32x80x256xi32, #tpu.memory_space<hbm>> -> memref<1x1x256xi32, #tpu.memory_space<hbm>>
        %dma_wait3A_284 = tpu.memref_squeeze %dma_wait3A_283 : memref<1x1x256xi32, #tpu.memory_space<hbm>> -> memref<256xi32, #tpu.memory_space<hbm>>
        %dma_wait3A_285 = arith.constant 0 : i32
        %dma_wait3A_286 = tpu.memref_slice %arg3[%add3A, %scan3A_22, %dma_wait3A_285] : memref<32x80x256xi32, #tpu.memory_space<hbm>> -> memref<1x1x256xi32, #tpu.memory_space<hbm>>
        %dma_wait3A_287 = tpu.memref_squeeze %dma_wait3A_286 : memref<1x1x256xi32, #tpu.memory_space<hbm>> -> memref<256xi32, #tpu.memory_space<hbm>>
        tpu.wait_dma2 semaphore(%run_scoped3A : memref<!tpu.dma_semaphore, #tpu.memory_space<semaphore_mem>>) src(%dma_wait3A_287 : memref<256xi32, #tpu.memory_space<hbm>>) dst(%arg8 : memref<256xi32, #tpu.memory_space<vmem>>)
        tpu.yield
      }) : () -> ()
      %get3A = arith.constant 0 : index
      %get3A_24 = tpu.vector_load %arg8[%get3A] {strides = array<i32>} : memref<256xi32, #tpu.memory_space<vmem>>, vector<16xi32>,
      %get3A_25 = vector.shape_cast %get3A_24 : vector<16xi32> to vector<16xi32>
      %mul3A_26 = arith.constant 16 : i32
      %mul3A_27 = vector.broadcast %mul3A_26 : i32 to vector<16xi32>
      %mul3A_28 = arith.muli %get3A_25, %mul3A_27 : vector<16xi32>
      %add3A_29 = arith.addi %mul3A_28, %iota3A : vector<16xi32>
      %swap3A = arith.constant 0 : i32
      %swap3A_30 = arith.index_cast %swap3A : i32 to index
      %swap3A_31 = arith.constant 0 : index
      %swap3A_32 = tpu.vector_load %arg9[%swap3A_30, %swap3A_31] {strides = array<i32>} : memref<2x128xi32, #tpu.memory_space<vmem>>, vector<1x16xi32>,
      %swap3A_33 = vector.shape_cast %swap3A_32 : vector<1x16xi32> to vector<16xi32>
      %swap3A_34 = vector.shape_cast %add3A_29 : vector<16xi32> to vector<1x16xi32>
      tpu.vector_store %arg9[%swap3A_30, %swap3A_31], %swap3A_34 {strides = array<i32>} : memref<2x128xi32, #tpu.memory_space<vmem>>, vector<1x16xi32>,
      %get3A_35 = arith.constant 16 : index
      %get3A_36 = tpu.vector_load %arg8[%get3A_35] {strides = array<i32>} : memref<256xi32, #tpu.memory_space<vmem>>, vector<16xi32>,
      %get3A_37 = vector.shape_cast %get3A_36 : vector<16xi32> to vector<16xi32>
      %mul3A_38 = arith.constant 16 : i32
      %mul3A_39 = vector.broadcast %mul3A_38 : i32 to vector<16xi32>
      %mul3A_40 = arith.muli %get3A_37, %mul3A_39 : vector<16xi32>
      %add3A_41 = arith.addi %mul3A_40, %iota3A : vector<16xi32>
      %swap3A_42 = arith.constant 0 : i32
      %swap3A_43 = arith.index_cast %swap3A_42 : i32 to index
      %swap3A_44 = arith.constant 16 : index
      %swap3A_45 = tpu.vector_load %arg9[%swap3A_43, %swap3A_44] {strides = array<i32>} : memref<2x128xi32, #tpu.memory_space<vmem>>, vector<1x16xi32>,
      %swap3A_46 = vector.shape_cast %swap3A_45 : vector<1x16xi32> to vector<16xi32>
      %swap3A_47 = vector.shape_cast %add3A_41 : vector<16xi32> to vector<1x16xi32>
      tpu.vector_store %arg9[%swap3A_43, %swap3A_44], %swap3A_47 {strides = array<i32>} : memref<2x128xi32, #tpu.memory_space<vmem>>, vector<1x16xi32>,
      %get3A_48 = arith.constant 32 : index
      %get3A_49 = tpu.vector_load %arg8[%get3A_48] {strides = array<i32>} : memref<256xi32, #tpu.memory_space<vmem>>, vector<16xi32>,
      %get3A_50 = vector.shape_cast %get3A_49 : vector<16xi32> to vector<16xi32>
      %mul3A_51 = arith.constant 16 : i32
      %mul3A_52 = vector.broadcast %mul3A_51 : i32 to vector<16xi32>
      %mul3A_53 = arith.muli %get3A_50, %mul3A_52 : vector<16xi32>
      %add3A_54 = arith.addi %mul3A_53, %iota3A : vector<16xi32>
      %swap3A_55 = arith.constant 0 : i32
      %swap3A_56 = arith.index_cast %swap3A_55 : i32 to index
      %swap3A_57 = arith.constant 32 : index
      %swap3A_58 = tpu.vector_load %arg9[%swap3A_56, %swap3A_57] {strides = array<i32>} : memref<2x128xi32, #tpu.memory_space<vmem>>, vector<1x16xi32>,
      %swap3A_59 = vector.shape_cast %swap3A_58 : vector<1x16xi32> to vector<16xi32>
      %swap3A_60 = vector.shape_cast %add3A_54 : vector<16xi32> to vector<1x16xi32>
      tpu.vector_store %arg9[%swap3A_56, %swap3A_57], %swap3A_60 {strides = array<i32>} : memref<2x128xi32, #tpu.memory_space<vmem>>, vector<1x16xi32>,
      %get3A_61 = arith.constant 48 : index
      %get3A_62 = tpu.vector_load %arg8[%get3A_61] {strides = array<i32>} : memref<256xi32, #tpu.memory_space<vmem>>, vector<16xi32>,
      %get3A_63 = vector.shape_cast %get3A_62 : vector<16xi32> to vector<16xi32>
      %mul3A_64 = arith.constant 16 : i32
      %mul3A_65 = vector.broadcast %mul3A_64 : i32 to vector<16xi32>
      %mul3A_66 = arith.muli %get3A_63, %mul3A_65 : vector<16xi32>
      %add3A_67 = arith.addi %mul3A_66, %iota3A : vector<16xi32>
      %swap3A_68 = arith.constant 0 : i32
      %swap3A_69 = arith.index_cast %swap3A_68 : i32 to index
      %swap3A_70 = arith.constant 48 : index
      %swap3A_71 = tpu.vector_load %arg9[%swap3A_69, %swap3A_70] {strides = array<i32>} : memref<2x128xi32, #tpu.memory_space<vmem>>, vector<1x16xi32>,
      %swap3A_72 = vector.shape_cast %swap3A_71 : vector<1x16xi32> to vector<16xi32>
      %swap3A_73 = vector.shape_cast %add3A_67 : vector<16xi32> to vector<1x16xi32>
      tpu.vector_store %arg9[%swap3A_69, %swap3A_70], %swap3A_73 {strides = array<i32>} : memref<2x128xi32, #tpu.memory_space<vmem>>, vector<1x16xi32>,
      %get3A_74 = arith.constant 64 : index
      %get3A_75 = tpu.vector_load %arg8[%get3A_74] {strides = array<i32>} : memref<256xi32, #tpu.memory_space<vmem>>, vector<16xi32>,
      %get3A_76 = vector.shape_cast %get3A_75 : vector<16xi32> to vector<16xi32>
      %mul3A_77 = arith.constant 16 : i32
      %mul3A_78 = vector.broadcast %mul3A_77 : i32 to vector<16xi32>
      %mul3A_79 = arith.muli %get3A_76, %mul3A_78 : vector<16xi32>
      %add3A_80 = arith.addi %mul3A_79, %iota3A : vector<16xi32>
      %swap3A_81 = arith.constant 0 : i32
      %swap3A_82 = arith.index_cast %swap3A_81 : i32 to index
      %swap3A_83 = arith.constant 64 : index
      %swap3A_84 = tpu.vector_load %arg9[%swap3A_82, %swap3A_83] {strides = array<i32>} : memref<2x128xi32, #tpu.memory_space<vmem>>, vector<1x16xi32>,
      %swap3A_85 = vector.shape_cast %swap3A_84 : vector<1x16xi32> to vector<16xi32>
      %swap3A_86 = vector.shape_cast %add3A_80 : vector<16xi32> to vector<1x16xi32>
      tpu.vector_store %arg9[%swap3A_82, %swap3A_83], %swap3A_86 {strides = array<i32>} : memref<2x128xi32, #tpu.memory_space<vmem>>, vector<1x16xi32>,
      %get3A_87 = arith.constant 80 : index
      %get3A_88 = tpu.vector_load %arg8[%get3A_87] {strides = array<i32>} : memref<256xi32, #tpu.memory_space<vmem>>, vector<16xi32>,
      %get3A_89 = vector.shape_cast %get3A_88 : vector<16xi32> to vector<16xi32>
      %mul3A_90 = arith.constant 16 : i32
      %mul3A_91 = vector.broadcast %mul3A_90 : i32 to vector<16xi32>
      %mul3A_92 = arith.muli %get3A_89, %mul3A_91 : vector<16xi32>
      %add3A_93 = arith.addi %mul3A_92, %iota3A : vector<16xi32>
      %swap3A_94 = arith.constant 0 : i32
      %swap3A_95 = arith.index_cast %swap3A_94 : i32 to index
      %swap3A_96 = arith.constant 80 : index
      %swap3A_97 = tpu.vector_load %arg9[%swap3A_95, %swap3A_96] {strides = array<i32>} : memref<2x128xi32, #tpu.memory_space<vmem>>, vector<1x16xi32>,
      %swap3A_98 = vector.shape_cast %swap3A_97 : vector<1x16xi32> to vector<16xi32>
      %swap3A_99 = vector.shape_cast %add3A_93 : vector<16xi32> to vector<1x16xi32>
      tpu.vector_store %arg9[%swap3A_95, %swap3A_96], %swap3A_99 {strides = array<i32>} : memref<2x128xi32, #tpu.memory_space<vmem>>, vector<1x16xi32>,
      %get3A_100 = arith.constant 96 : index
      %get3A_101 = tpu.vector_load %arg8[%get3A_100] {strides = array<i32>} : memref<256xi32, #tpu.memory_space<vmem>>, vector<16xi32>,
      %get3A_102 = vector.shape_cast %get3A_101 : vector<16xi32> to vector<16xi32>
      %mul3A_103 = arith.constant 16 : i32
      %mul3A_104 = vector.broadcast %mul3A_103 : i32 to vector<16xi32>
      %mul3A_105 = arith.muli %get3A_102, %mul3A_104 : vector<16xi32>
      %add3A_106 = arith.addi %mul3A_105, %iota3A : vector<16xi32>
      %swap3A_107 = arith.constant 0 : i32
      %swap3A_108 = arith.index_cast %swap3A_107 : i32 to index
      %swap3A_109 = arith.constant 96 : index
      %swap3A_110 = tpu.vector_load %arg9[%swap3A_108, %swap3A_109] {strides = array<i32>} : memref<2x128xi32, #tpu.memory_space<vmem>>, vector<1x16xi32>,
      %swap3A_111 = vector.shape_cast %swap3A_110 : vector<1x16xi32> to vector<16xi32>
      %swap3A_112 = vector.shape_cast %add3A_106 : vector<16xi32> to vector<1x16xi32>
      tpu.vector_store %arg9[%swap3A_108, %swap3A_109], %swap3A_112 {strides = array<i32>} : memref<2x128xi32, #tpu.memory_space<vmem>>, vector<1x16xi32>,
      %get3A_113 = arith.constant 112 : index
      %get3A_114 = tpu.vector_load %arg8[%get3A_113] {strides = array<i32>} : memref<256xi32, #tpu.memory_space<vmem>>, vector<16xi32>,
      %get3A_115 = vector.shape_cast %get3A_114 : vector<16xi32> to vector<16xi32>
      %mul3A_116 = arith.constant 16 : i32
      %mul3A_117 = vector.broadcast %mul3A_116 : i32 to vector<16xi32>
      %mul3A_118 = arith.muli %get3A_115, %mul3A_117 : vector<16xi32>
      %add3A_119 = arith.addi %mul3A_118, %iota3A : vector<16xi32>
      %swap3A_120 = arith.constant 0 : i32
      %swap3A_121 = arith.index_cast %swap3A_120 : i32 to index
      %swap3A_122 = arith.constant 112 : index
      %swap3A_123 = tpu.vector_load %arg9[%swap3A_121, %swap3A_122] {strides = array<i32>} : memref<2x128xi32, #tpu.memory_space<vmem>>, vector<1x16xi32>,
      %swap3A_124 = vector.shape_cast %swap3A_123 : vector<1x16xi32> to vector<16xi32>
      %swap3A_125 = vector.shape_cast %add3A_119 : vector<16xi32> to vector<1x16xi32>
      tpu.vector_store %arg9[%swap3A_121, %swap3A_122], %swap3A_125 {strides = array<i32>} : memref<2x128xi32, #tpu.memory_space<vmem>>, vector<1x16xi32>,
      %get3A_126 = arith.constant 128 : index
      %get3A_127 = tpu.vector_load %arg8[%get3A_126] {strides = array<i32>} : memref<256xi32, #tpu.memory_space<vmem>>, vector<16xi32>,
      %get3A_128 = vector.shape_cast %get3A_127 : vector<16xi32> to vector<16xi32>
      %mul3A_129 = arith.constant 16 : i32
      %mul3A_130 = vector.broadcast %mul3A_129 : i32 to vector<16xi32>
      %mul3A_131 = arith.muli %get3A_128, %mul3A_130 : vector<16xi32>
      %add3A_132 = arith.addi %mul3A_131, %iota3A : vector<16xi32>
      %swap3A_133 = arith.constant 1 : i32
      %swap3A_134 = arith.index_cast %swap3A_133 : i32 to index
      %swap3A_135 = arith.constant 0 : index
      %swap3A_136 = tpu.vector_load %arg9[%swap3A_134, %swap3A_135] {strides = array<i32>} : memref<2x128xi32, #tpu.memory_space<vmem>>, vector<1x16xi32>,
      %swap3A_137 = vector.shape_cast %swap3A_136 : vector<1x16xi32> to vector<16xi32>
      %swap3A_138 = vector.shape_cast %add3A_132 : vector<16xi32> to vector<1x16xi32>
      tpu.vector_store %arg9[%swap3A_134, %swap3A_135], %swap3A_138 {strides = array<i32>} : memref<2x128xi32, #tpu.memory_space<vmem>>, vector<1x16xi32>,
      %get3A_139 = arith.constant 144 : index
      %get3A_140 = tpu.vector_load %arg8[%get3A_139] {strides = array<i32>} : memref<256xi32, #tpu.memory_space<vmem>>, vector<16xi32>,
      %get3A_141 = vector.shape_cast %get3A_140 : vector<16xi32> to vector<16xi32>
      %mul3A_142 = arith.constant 16 : i32
      %mul3A_143 = vector.broadcast %mul3A_142 : i32 to vector<16xi32>
      %mul3A_144 = arith.muli %get3A_141, %mul3A_143 : vector<16xi32>
      %add3A_145 = arith.addi %mul3A_144, %iota3A : vector<16xi32>
      %swap3A_146 = arith.constant 1 : i32
      %swap3A_147 = arith.index_cast %swap3A_146 : i32 to index
      %swap3A_148 = arith.constant 16 : index
      %swap3A_149 = tpu.vector_load %arg9[%swap3A_147, %swap3A_148] {strides = array<i32>} : memref<2x128xi32, #tpu.memory_space<vmem>>, vector<1x16xi32>,
      %swap3A_150 = vector.shape_cast %swap3A_149 : vector<1x16xi32> to vector<16xi32>
      %swap3A_151 = vector.shape_cast %add3A_145 : vector<16xi32> to vector<1x16xi32>
      tpu.vector_store %arg9[%swap3A_147, %swap3A_148], %swap3A_151 {strides = array<i32>} : memref<2x128xi32, #tpu.memory_space<vmem>>, vector<1x16xi32>,
      %get3A_152 = arith.constant 160 : index
      %get3A_153 = tpu.vector_load %arg8[%get3A_152] {strides = array<i32>} : memref<256xi32, #tpu.memory_space<vmem>>, vector<16xi32>,
      %get3A_154 = vector.shape_cast %get3A_153 : vector<16xi32> to vector<16xi32>
      %mul3A_155 = arith.constant 16 : i32
      %mul3A_156 = vector.broadcast %mul3A_155 : i32 to vector<16xi32>
      %mul3A_157 = arith.muli %get3A_154, %mul3A_156 : vector<16xi32>
      %add3A_158 = arith.addi %mul3A_157, %iota3A : vector<16xi32>
      %swap3A_159 = arith.constant 1 : i32
      %swap3A_160 = arith.index_cast %swap3A_159 : i32 to index
      %swap3A_161 = arith.constant 32 : index
      %swap3A_162 = tpu.vector_load %arg9[%swap3A_160, %swap3A_161] {strides = array<i32>} : memref<2x128xi32, #tpu.memory_space<vmem>>, vector<1x16xi32>,
      %swap3A_163 = vector.shape_cast %swap3A_162 : vector<1x16xi32> to vector<16xi32>
      %swap3A_164 = vector.shape_cast %add3A_158 : vector<16xi32> to vector<1x16xi32>
      tpu.vector_store %arg9[%swap3A_160, %swap3A_161], %swap3A_164 {strides = array<i32>} : memref<2x128xi32, #tpu.memory_space<vmem>>, vector<1x16xi32>,
      %get3A_165 = arith.constant 176 : index
      %get3A_166 = tpu.vector_load %arg8[%get3A_165] {strides = array<i32>} : memref<256xi32, #tpu.memory_space<vmem>>, vector<16xi32>,
      %get3A_167 = vector.shape_cast %get3A_166 : vector<16xi32> to vector<16xi32>
      %mul3A_168 = arith.constant 16 : i32
      %mul3A_169 = vector.broadcast %mul3A_168 : i32 to vector<16xi32>
      %mul3A_170 = arith.muli %get3A_167, %mul3A_169 : vector<16xi32>
      %add3A_171 = arith.addi %mul3A_170, %iota3A : vector<16xi32>
      %swap3A_172 = arith.constant 1 : i32
      %swap3A_173 = arith.index_cast %swap3A_172 : i32 to index
      %swap3A_174 = arith.constant 48 : index
      %swap3A_175 = tpu.vector_load %arg9[%swap3A_173, %swap3A_174] {strides = array<i32>} : memref<2x128xi32, #tpu.memory_space<vmem>>, vector<1x16xi32>,
      %swap3A_176 = vector.shape_cast %swap3A_175 : vector<1x16xi32> to vector<16xi32>
      %swap3A_177 = vector.shape_cast %add3A_171 : vector<16xi32> to vector<1x16xi32>
      tpu.vector_store %arg9[%swap3A_173, %swap3A_174], %swap3A_177 {strides = array<i32>} : memref<2x128xi32, #tpu.memory_space<vmem>>, vector<1x16xi32>,
      %get3A_178 = arith.constant 192 : index
      %get3A_179 = tpu.vector_load %arg8[%get3A_178] {strides = array<i32>} : memref<256xi32, #tpu.memory_space<vmem>>, vector<16xi32>,
      %get3A_180 = vector.shape_cast %get3A_179 : vector<16xi32> to vector<16xi32>
      %mul3A_181 = arith.constant 16 : i32
      %mul3A_182 = vector.broadcast %mul3A_181 : i32 to vector<16xi32>
      %mul3A_183 = arith.muli %get3A_180, %mul3A_182 : vector<16xi32>
      %add3A_184 = arith.addi %mul3A_183, %iota3A : vector<16xi32>
      %swap3A_185 = arith.constant 1 : i32
      %swap3A_186 = arith.index_cast %swap3A_185 : i32 to index
      %swap3A_187 = arith.constant 64 : index
      %swap3A_188 = tpu.vector_load %arg9[%swap3A_186, %swap3A_187] {strides = array<i32>} : memref<2x128xi32, #tpu.memory_space<vmem>>, vector<1x16xi32>,
      %swap3A_189 = vector.shape_cast %swap3A_188 : vector<1x16xi32> to vector<16xi32>
      %swap3A_190 = vector.shape_cast %add3A_184 : vector<16xi32> to vector<1x16xi32>
      tpu.vector_store %arg9[%swap3A_186, %swap3A_187], %swap3A_190 {strides = array<i32>} : memref<2x128xi32, #tpu.memory_space<vmem>>, vector<1x16xi32>,
      %get3A_191 = arith.constant 208 : index
      %get3A_192 = tpu.vector_load %arg8[%get3A_191] {strides = array<i32>} : memref<256xi32, #tpu.memory_space<vmem>>, vector<16xi32>,
      %get3A_193 = vector.shape_cast %get3A_192 : vector<16xi32> to vector<16xi32>
      %mul3A_194 = arith.constant 16 : i32
      %mul3A_195 = vector.broadcast %mul3A_194 : i32 to vector<16xi32>
      %mul3A_196 = arith.muli %get3A_193, %mul3A_195 : vector<16xi32>
      %add3A_197 = arith.addi %mul3A_196, %iota3A : vector<16xi32>
      %swap3A_198 = arith.constant 1 : i32
      %swap3A_199 = arith.index_cast %swap3A_198 : i32 to index
      %swap3A_200 = arith.constant 80 : index
      %swap3A_201 = tpu.vector_load %arg9[%swap3A_199, %swap3A_200] {strides = array<i32>} : memref<2x128xi32, #tpu.memory_space<vmem>>, vector<1x16xi32>,
      %swap3A_202 = vector.shape_cast %swap3A_201 : vector<1x16xi32> to vector<16xi32>
      %swap3A_203 = vector.shape_cast %add3A_197 : vector<16xi32> to vector<1x16xi32>
      tpu.vector_store %arg9[%swap3A_199, %swap3A_200], %swap3A_203 {strides = array<i32>} : memref<2x128xi32, #tpu.memory_space<vmem>>, vector<1x16xi32>,
      %get3A_204 = arith.constant 224 : index
      %get3A_205 = tpu.vector_load %arg8[%get3A_204] {strides = array<i32>} : memref<256xi32, #tpu.memory_space<vmem>>, vector<16xi32>,
      %get3A_206 = vector.shape_cast %get3A_205 : vector<16xi32> to vector<16xi32>
      %mul3A_207 = arith.constant 16 : i32
      %mul3A_208 = vector.broadcast %mul3A_207 : i32 to vector<16xi32>
      %mul3A_209 = arith.muli %get3A_206, %mul3A_208 : vector<16xi32>
      %add3A_210 = arith.addi %mul3A_209, %iota3A : vector<16xi32>
      %swap3A_211 = arith.constant 1 : i32
      %swap3A_212 = arith.index_cast %swap3A_211 : i32 to index
      %swap3A_213 = arith.constant 96 : index
      %swap3A_214 = tpu.vector_load %arg9[%swap3A_212, %swap3A_213] {strides = array<i32>} : memref<2x128xi32, #tpu.memory_space<vmem>>, vector<1x16xi32>,
      %swap3A_215 = vector.shape_cast %swap3A_214 : vector<1x16xi32> to vector<16xi32>
      %swap3A_216 = vector.shape_cast %add3A_210 : vector<16xi32> to vector<1x16xi32>
      tpu.vector_store %arg9[%swap3A_212, %swap3A_213], %swap3A_216 {strides = array<i32>} : memref<2x128xi32, #tpu.memory_space<vmem>>, vector<1x16xi32>,
      %get3A_217 = arith.constant 240 : index
      %get3A_218 = tpu.vector_load %arg8[%get3A_217] {strides = array<i32>} : memref<256xi32, #tpu.memory_space<vmem>>, vector<16xi32>,
      %get3A_219 = vector.shape_cast %get3A_218 : vector<16xi32> to vector<16xi32>
      %mul3A_220 = arith.constant 16 : i32
      %mul3A_221 = vector.broadcast %mul3A_220 : i32 to vector<16xi32>
      %mul3A_222 = arith.muli %get3A_219, %mul3A_221 : vector<16xi32>
      %add3A_223 = arith.addi %mul3A_222, %iota3A : vector<16xi32>
      %swap3A_224 = arith.constant 1 : i32
      %swap3A_225 = arith.index_cast %swap3A_224 : i32 to index
      %swap3A_226 = arith.constant 112 : index
      %swap3A_227 = tpu.vector_load %arg9[%swap3A_225, %swap3A_226] {strides = array<i32>} : memref<2x128xi32, #tpu.memory_space<vmem>>, vector<1x16xi32>,
      %swap3A_228 = vector.shape_cast %swap3A_227 : vector<1x16xi32> to vector<16xi32>
      %swap3A_229 = vector.shape_cast %add3A_223 : vector<16xi32> to vector<1x16xi32>
      tpu.vector_store %arg9[%swap3A_225, %swap3A_226], %swap3A_229 {strides = array<i32>} : memref<2x128xi32, #tpu.memory_space<vmem>>, vector<1x16xi32>,
      %dma_start3A = arith.constant 0 : i32
      %dma_start3A_230 = arith.constant 0 : i32
      %dma_start3A_231 = arith.constant 0 : i32
      %dma_start3A_232 = tpu.memref_slice %arg10[%dma_start3A_230, %dma_start3A_231] : memref<256x128xf32, #tpu.memory_space<vmem>> -> memref<128x128xf32, #tpu.memory_space<vmem>>
      %dma_start3A_233 = arith.constant 0 : i32
      %dma_start3A_234 = tpu.memref_slice %arg9[%dma_start3A, %dma_start3A_233] : memref<2x128xi32, #tpu.memory_space<vmem>> -> memref<1x128xi32, #tpu.memory_space<vmem>>
      %dma_start3A_235 = tpu.memref_squeeze %dma_start3A_234 : memref<1x128xi32, #tpu.memory_space<vmem>> -> memref<128xi32, #tpu.memory_space<vmem>>
      %dma_start3A_236 = arith.constant 0 : i32
      %dma_start3A_237 = arith.constant 0 : i32
      %dma_start3A_238 = tpu.memref_slice %arg2[%dma_start3A_236, %dma_start3A_237] : memref<160000x128xf32, #tpu.memory_space<hbm>> -> memref<160000x128xf32, #tpu.memory_space<hbm>>
      tpu.enqueue_indirect_dma source(%dma_start3A_238 : memref<160000x128xf32, #tpu.memory_space<hbm>>) target(%dma_start3A_232 : memref<128x128xf32, #tpu.memory_space<vmem>>) offsets(%dma_start3A_235 : memref<128xi32, #tpu.memory_space<vmem>>) semaphore(%arg14 : memref<!tpu.dma_semaphore, #tpu.memory_space<semaphore_mem>>)
      %dma_start3A_239 = arith.constant 1 : i32
      %dma_start3A_240 = arith.constant 128 : i32
      %dma_start3A_241 = arith.constant 0 : i32
      %dma_start3A_242 = tpu.memref_slice %arg10[%dma_start3A_240, %dma_start3A_241] : memref<256x128xf32, #tpu.memory_space<vmem>> -> memref<128x128xf32, #tpu.memory_space<vmem>>
      %dma_start3A_243 = arith.constant 0 : i32
      %dma_start3A_244 = tpu.memref_slice %arg9[%dma_start3A_239, %dma_start3A_243] : memref<2x128xi32, #tpu.memory_space<vmem>> -> memref<1x128xi32, #tpu.memory_space<vmem>>
      %dma_start3A_245 = tpu.memref_squeeze %dma_start3A_244 : memref<1x128xi32, #tpu.memory_space<vmem>> -> memref<128xi32, #tpu.memory_space<vmem>>
      %dma_start3A_246 = arith.constant 0 : i32
      %dma_start3A_247 = arith.constant 0 : i32
      %dma_start3A_248 = tpu.memref_slice %arg2[%dma_start3A_246, %dma_start3A_247] : memref<160000x128xf32, #tpu.memory_space<hbm>> -> memref<160000x128xf32, #tpu.memory_space<hbm>>
      tpu.enqueue_indirect_dma source(%dma_start3A_248 : memref<160000x128xf32, #tpu.memory_space<hbm>>) target(%dma_start3A_242 : memref<128x128xf32, #tpu.memory_space<vmem>>) offsets(%dma_start3A_245 : memref<128xi32, #tpu.memory_space<vmem>>) semaphore(%arg15 : memref<!tpu.dma_semaphore, #tpu.memory_space<semaphore_mem>>)
      %dma_wait3A = arith.constant 0 : i32
      %dma_wait3A_249 = arith.constant 0 : i32
      %dma_wait3A_250 = arith.constant 0 : i32
      %dma_wait3A_251 = tpu.memref_slice %arg10[%dma_wait3A_249, %dma_wait3A_250] : memref<256x128xf32, #tpu.memory_space<vmem>> -> memref<128x128xf32, #tpu.memory_space<vmem>>
      %dma_wait3A_252 = arith.constant 0 : i32
      %dma_wait3A_253 = tpu.memref_slice %arg9[%dma_wait3A, %dma_wait3A_252] : memref<2x128xi32, #tpu.memory_space<vmem>> -> memref<1x128xi32, #tpu.memory_space<vmem>>
      %dma_wait3A_254 = tpu.memref_squeeze %dma_wait3A_253 : memref<1x128xi32, #tpu.memory_space<vmem>> -> memref<128xi32, #tpu.memory_space<vmem>>
      %dma_wait3A_255 = arith.constant 0 : i32
      %dma_wait3A_256 = arith.constant 0 : i32
      %dma_wait3A_257 = tpu.memref_slice %arg2[%dma_wait3A_255, %dma_wait3A_256] : memref<160000x128xf32, #tpu.memory_space<hbm>> -> memref<160000x128xf32, #tpu.memory_space<hbm>>
      tpu.wait_indirect_dma semaphore(%arg14 : memref<!tpu.dma_semaphore, #tpu.memory_space<semaphore_mem>>) src(%dma_wait3A_257 : memref<160000x128xf32, #tpu.memory_space<hbm>>) dst(%dma_wait3A_251 : memref<128x128xf32, #tpu.memory_space<vmem>>)
      %dma_wait3A_258 = arith.constant 1 : i32
      %dma_wait3A_259 = arith.constant 128 : i32
      %dma_wait3A_260 = arith.constant 0 : i32
      %dma_wait3A_261 = tpu.memref_slice %arg10[%dma_wait3A_259, %dma_wait3A_260] : memref<256x128xf32, #tpu.memory_space<vmem>> -> memref<128x128xf32, #tpu.memory_space<vmem>>
      %dma_wait3A_262 = arith.constant 0 : i32
      %dma_wait3A_263 = tpu.memref_slice %arg9[%dma_wait3A_258, %dma_wait3A_262] : memref<2x128xi32, #tpu.memory_space<vmem>> -> memref<1x128xi32, #tpu.memory_space<vmem>>
      %dma_wait3A_264 = tpu.memref_squeeze %dma_wait3A_263 : memref<1x128xi32, #tpu.memory_space<vmem>> -> memref<128xi32, #tpu.memory_space<vmem>>
      %dma_wait3A_265 = arith.constant 0 : i32
      %dma_wait3A_266 = arith.constant 0 : i32
      %dma_wait3A_267 = tpu.memref_slice %arg2[%dma_wait3A_265, %dma_wait3A_266] : memref<160000x128xf32, #tpu.memory_space<hbm>> -> memref<160000x128xf32, #tpu.memory_space<hbm>>
      tpu.wait_indirect_dma semaphore(%arg15 : memref<!tpu.dma_semaphore, #tpu.memory_space<semaphore_mem>>) src(%dma_wait3A_267 : memref<160000x128xf32, #tpu.memory_space<hbm>>) dst(%dma_wait3A_261 : memref<128x128xf32, #tpu.memory_space<vmem>>)
      %scan3A_268 = arith.constant 0 : i32
      %scan3A_269 = arith.constant 0 : i32
      %scan3A_270 = arith.constant 16 : i32
      %scan3A_271 = arith.addi %scan3A_269, %scan3A_270 : i32
      %scan3A_272 = arith.constant 1 : i32
      %scan3A_273 = scf.for %scan3A_276 = %scan3A_269 to %scan3A_271 step %scan3A_272 iter_args(%scan3A_277 = %scan3A_268) -> (i32)  : i32 {
        %mul3A_278 = arith.constant 16 : i32
        %mul3A_279 = arith.muli %scan3A_276, %mul3A_278 : i32
        %get3A_280 = arith.index_cast %mul3A_279 : i32 to index
        %get3A_281 = arith.constant 0 : index
        %get3A_282 = tpu.vector_load %arg10[%get3A_280, %get3A_281] {strides = array<i32>} : memref<256x128xf32, #tpu.memory_space<vmem>>, vector<1x16xf32>,
        %get3A_283 = vector.shape_cast %get3A_282 : vector<1x16xf32> to vector<16xf32>
        %add3A_284 = arith.constant 1 : i32
        %add3A_285 = arith.addi %mul3A_279, %add3A_284 : i32
        %get3A_286 = arith.index_cast %add3A_285 : i32 to index
        %get3A_287 = arith.constant 0 : index
        %get3A_288 = tpu.vector_load %arg10[%get3A_286, %get3A_287] {strides = array<i32>} : memref<256x128xf32, #tpu.memory_space<vmem>>, vector<1x16xf32>,
        %get3A_289 = vector.shape_cast %get3A_288 : vector<1x16xf32> to vector<16xf32>
        %add3A_290 = arith.addf %get3A_283, %get3A_289 : vector<16xf32>
        %add3A_291 = arith.constant 2 : i32
        %add3A_292 = arith.addi %mul3A_279, %add3A_291 : i32
        %get3A_293 = arith.index_cast %add3A_292 : i32 to index
        %get3A_294 = arith.constant 0 : index
        %get3A_295 = tpu.vector_load %arg10[%get3A_293, %get3A_294] {strides = array<i32>} : memref<256x128xf32, #tpu.memory_space<vmem>>, vector<1x16xf32>,
        %get3A_296 = vector.shape_cast %get3A_295 : vector<1x16xf32> to vector<16xf32>
        %add3A_297 = arith.addf %add3A_290, %get3A_296 : vector<16xf32>
        %add3A_298 = arith.constant 3 : i32
        %add3A_299 = arith.addi %mul3A_279, %add3A_298 : i32
        %get3A_300 = arith.index_cast %add3A_299 : i32 to index
        %get3A_301 = arith.constant 0 : index
        %get3A_302 = tpu.vector_load %arg10[%get3A_300, %get3A_301] {strides = array<i32>} : memref<256x128xf32, #tpu.memory_space<vmem>>, vector<1x16xf32>,
        %get3A_303 = vector.shape_cast %get3A_302 : vector<1x16xf32> to vector<16xf32>
        %add3A_304 = arith.addf %add3A_297, %get3A_303 : vector<16xf32>
        %add3A_305 = arith.constant 4 : i32
        %add3A_306 = arith.addi %mul3A_279, %add3A_305 : i32
        %get3A_307 = arith.index_cast %add3A_306 : i32 to index
        %get3A_308 = arith.constant 0 : index
        %get3A_309 = tpu.vector_load %arg10[%get3A_307, %get3A_308] {strides = array<i32>} : memref<256x128xf32, #tpu.memory_space<vmem>>, vector<1x16xf32>,
        %get3A_310 = vector.shape_cast %get3A_309 : vector<1x16xf32> to vector<16xf32>
        %add3A_311 = arith.addf %add3A_304, %get3A_310 : vector<16xf32>
        %add3A_312 = arith.constant 5 : i32
        %add3A_313 = arith.addi %mul3A_279, %add3A_312 : i32
        %get3A_314 = arith.index_cast %add3A_313 : i32 to index
        %get3A_315 = arith.constant 0 : index
        %get3A_316 = tpu.vector_load %arg10[%get3A_314, %get3A_315] {strides = array<i32>} : memref<256x128xf32, #tpu.memory_space<vmem>>, vector<1x16xf32>,
        %get3A_317 = vector.shape_cast %get3A_316 : vector<1x16xf32> to vector<16xf32>
        %add3A_318 = arith.addf %add3A_311, %get3A_317 : vector<16xf32>
        %add3A_319 = arith.constant 6 : i32
        %add3A_320 = arith.addi %mul3A_279, %add3A_319 : i32
        %get3A_321 = arith.index_cast %add3A_320 : i32 to index
        %get3A_322 = arith.constant 0 : index
        %get3A_323 = tpu.vector_load %arg10[%get3A_321, %get3A_322] {strides = array<i32>} : memref<256x128xf32, #tpu.memory_space<vmem>>, vector<1x16xf32>,
        %get3A_324 = vector.shape_cast %get3A_323 : vector<1x16xf32> to vector<16xf32>
        %add3A_325 = arith.addf %add3A_318, %get3A_324 : vector<16xf32>
        %add3A_326 = arith.constant 7 : i32
        %add3A_327 = arith.addi %mul3A_279, %add3A_326 : i32
        %get3A_328 = arith.index_cast %add3A_327 : i32 to index
        %get3A_329 = arith.constant 0 : index
        %get3A_330 = tpu.vector_load %arg10[%get3A_328, %get3A_329] {strides = array<i32>} : memref<256x128xf32, #tpu.memory_space<vmem>>, vector<1x16xf32>,
        %get3A_331 = vector.shape_cast %get3A_330 : vector<1x16xf32> to vector<16xf32>
        %add3A_332 = arith.addf %add3A_325, %get3A_331 : vector<16xf32>
        %add3A_333 = arith.constant 8 : i32
        %add3A_334 = arith.addi %mul3A_279, %add3A_333 : i32
        %get3A_335 = arith.index_cast %add3A_334 : i32 to index
        %get3A_336 = arith.constant 0 : index
        %get3A_337 = tpu.vector_load %arg10[%get3A_335, %get3A_336] {strides = array<i32>} : memref<256x128xf32, #tpu.memory_space<vmem>>, vector<1x16xf32>,
        %get3A_338 = vector.shape_cast %get3A_337 : vector<1x16xf32> to vector<16xf32>
        %add3A_339 = arith.addf %add3A_332, %get3A_338 : vector<16xf32>
        %add3A_340 = arith.constant 9 : i32
        %add3A_341 = arith.addi %mul3A_279, %add3A_340 : i32
        %get3A_342 = arith.index_cast %add3A_341 : i32 to index
        %get3A_343 = arith.constant 0 : index
        %get3A_344 = tpu.vector_load %arg10[%get3A_342, %get3A_343] {strides = array<i32>} : memref<256x128xf32, #tpu.memory_space<vmem>>, vector<1x16xf32>,
        %get3A_345 = vector.shape_cast %get3A_344 : vector<1x16xf32> to vector<16xf32>
        %add3A_346 = arith.addf %add3A_339, %get3A_345 : vector<16xf32>
        %add3A_347 = arith.constant 10 : i32
        %add3A_348 = arith.addi %mul3A_279, %add3A_347 : i32
        %get3A_349 = arith.index_cast %add3A_348 : i32 to index
        %get3A_350 = arith.constant 0 : index
        %get3A_351 = tpu.vector_load %arg10[%get3A_349, %get3A_350] {strides = array<i32>} : memref<256x128xf32, #tpu.memory_space<vmem>>, vector<1x16xf32>,
        %get3A_352 = vector.shape_cast %get3A_351 : vector<1x16xf32> to vector<16xf32>
        %add3A_353 = arith.addf %add3A_346, %get3A_352 : vector<16xf32>
        %add3A_354 = arith.constant 11 : i32
        %add3A_355 = arith.addi %mul3A_279, %add3A_354 : i32
        %get3A_356 = arith.index_cast %add3A_355 : i32 to index
        %get3A_357 = arith.constant 0 : index
        %get3A_358 = tpu.vector_load %arg10[%get3A_356, %get3A_357] {strides = array<i32>} : memref<256x128xf32, #tpu.memory_space<vmem>>, vector<1x16xf32>,
        %get3A_359 = vector.shape_cast %get3A_358 : vector<1x16xf32> to vector<16xf32>
        %add3A_360 = arith.addf %add3A_353, %get3A_359 : vector<16xf32>
        %add3A_361 = arith.constant 12 : i32
        %add3A_362 = arith.addi %mul3A_279, %add3A_361 : i32
        %get3A_363 = arith.index_cast %add3A_362 : i32 to index
        %get3A_364 = arith.constant 0 : index
        %get3A_365 = tpu.vector_load %arg10[%get3A_363, %get3A_364] {strides = array<i32>} : memref<256x128xf32, #tpu.memory_space<vmem>>, vector<1x16xf32>,
        %get3A_366 = vector.shape_cast %get3A_365 : vector<1x16xf32> to vector<16xf32>
        %add3A_367 = arith.addf %add3A_360, %get3A_366 : vector<16xf32>
        %add3A_368 = arith.constant 13 : i32
        %add3A_369 = arith.addi %mul3A_279, %add3A_368 : i32
        %get3A_370 = arith.index_cast %add3A_369 : i32 to index
        %get3A_371 = arith.constant 0 : index
        %get3A_372 = tpu.vector_load %arg10[%get3A_370, %get3A_371] {strides = array<i32>} : memref<256x128xf32, #tpu.memory_space<vmem>>, vector<1x16xf32>,
        %get3A_373 = vector.shape_cast %get3A_372 : vector<1x16xf32> to vector<16xf32>
        %add3A_374 = arith.addf %add3A_367, %get3A_373 : vector<16xf32>
        %add3A_375 = arith.constant 14 : i32
        %add3A_376 = arith.addi %mul3A_279, %add3A_375 : i32
        %get3A_377 = arith.index_cast %add3A_376 : i32 to index
        %get3A_378 = arith.constant 0 : index
        %get3A_379 = tpu.vector_load %arg10[%get3A_377, %get3A_378] {strides = array<i32>} : memref<256x128xf32, #tpu.memory_space<vmem>>, vector<1x16xf32>,
        %get3A_380 = vector.shape_cast %get3A_379 : vector<1x16xf32> to vector<16xf32>
        %add3A_381 = arith.addf %add3A_374, %get3A_380 : vector<16xf32>
        %add3A_382 = arith.constant 15 : i32
        %add3A_383 = arith.addi %mul3A_279, %add3A_382 : i32
        %get3A_384 = arith.index_cast %add3A_383 : i32 to index
        %get3A_385 = arith.constant 0 : index
        %get3A_386 = tpu.vector_load %arg10[%get3A_384, %get3A_385] {strides = array<i32>} : memref<256x128xf32, #tpu.memory_space<vmem>>, vector<1x16xf32>,
        %get3A_387 = vector.shape_cast %get3A_386 : vector<1x16xf32> to vector<16xf32>
        %add3A_388 = arith.addf %add3A_381, %get3A_387 : vector<16xf32>
        %get3A_389 = arith.constant 0 : index
        %get3A_390 = tpu.vector_load %arg12[%get3A_389] {strides = array<i32>} : memref<128xf32, #tpu.memory_space<vmem>>, vector<16xf32>,
        %get3A_391 = vector.shape_cast %get3A_390 : vector<16xf32> to vector<16xf32>
        %add3A_392 = arith.addf %add3A_388, %get3A_391 : vector<16xf32>
        %max3A = arith.constant 0.000000e+00 : f32
        %max3A_393 = vector.broadcast %max3A : f32 to vector<16xf32>
        %max3A_394 = arith.maximumf %add3A_392, %max3A_393 : vector<16xf32>
        %swap3A_395 = arith.index_cast %scan3A_276 : i32 to index
        %swap3A_396 = arith.constant 0 : index
        %swap3A_397 = tpu.vector_load %arg11[%swap3A_395, %swap3A_396] {strides = array<i32>} : memref<16x128xf32, #tpu.memory_space<vmem>>, vector<1x16xf32>,
        %swap3A_398 = vector.shape_cast %swap3A_397 : vector<1x16xf32> to vector<16xf32>
        %swap3A_399 = vector.shape_cast %max3A_394 : vector<16xf32> to vector<1x16xf32>
        tpu.vector_store %arg11[%swap3A_395, %swap3A_396], %swap3A_399 {strides = array<i32>} : memref<16x128xf32, #tpu.memory_space<vmem>>, vector<1x16xf32>,
        %get3A_400 = arith.index_cast %mul3A_279 : i32 to index
        %get3A_401 = arith.constant 16 : index
        %get3A_402 = tpu.vector_load %arg10[%get3A_400, %get3A_401] {strides = array<i32>} : memref<256x128xf32, #tpu.memory_space<vmem>>, vector<1x16xf32>,
        %get3A_403 = vector.shape_cast %get3A_402 : vector<1x16xf32> to vector<16xf32>
        %add3A_404 = arith.constant 1 : i32
        %add3A_405 = arith.addi %mul3A_279, %add3A_404 : i32
        %get3A_406 = arith.index_cast %add3A_405 : i32 to index
        %get3A_407 = arith.constant 16 : index
        %get3A_408 = tpu.vector_load %arg10[%get3A_406, %get3A_407] {strides = array<i32>} : memref<256x128xf32, #tpu.memory_space<vmem>>, vector<1x16xf32>,
        %get3A_409 = vector.shape_cast %get3A_408 : vector<1x16xf32> to vector<16xf32>
        %add3A_410 = arith.addf %get3A_403, %get3A_409 : vector<16xf32>
        %add3A_411 = arith.constant 2 : i32
        %add3A_412 = arith.addi %mul3A_279, %add3A_411 : i32
        %get3A_413 = arith.index_cast %add3A_412 : i32 to index
        %get3A_414 = arith.constant 16 : index
        %get3A_415 = tpu.vector_load %arg10[%get3A_413, %get3A_414] {strides = array<i32>} : memref<256x128xf32, #tpu.memory_space<vmem>>, vector<1x16xf32>,
        %get3A_416 = vector.shape_cast %get3A_415 : vector<1x16xf32> to vector<16xf32>
        %add3A_417 = arith.addf %add3A_410, %get3A_416 : vector<16xf32>
        %add3A_418 = arith.constant 3 : i32
        %add3A_419 = arith.addi %mul3A_279, %add3A_418 : i32
        %get3A_420 = arith.index_cast %add3A_419 : i32 to index
        %get3A_421 = arith.constant 16 : index
        %get3A_422 = tpu.vector_load %arg10[%get3A_420, %get3A_421] {strides = array<i32>} : memref<256x128xf32, #tpu.memory_space<vmem>>, vector<1x16xf32>,
        %get3A_423 = vector.shape_cast %get3A_422 : vector<1x16xf32> to vector<16xf32>
        %add3A_424 = arith.addf %add3A_417, %get3A_423 : vector<16xf32>
        %add3A_425 = arith.constant 4 : i32
        %add3A_426 = arith.addi %mul3A_279, %add3A_425 : i32
        %get3A_427 = arith.index_cast %add3A_426 : i32 to index
        %get3A_428 = arith.constant 16 : index
        %get3A_429 = tpu.vector_load %arg10[%get3A_427, %get3A_428] {strides = array<i32>} : memref<256x128xf32, #tpu.memory_space<vmem>>, vector<1x16xf32>,
        %get3A_430 = vector.shape_cast %get3A_429 : vector<1x16xf32> to vector<16xf32>
        %add3A_431 = arith.addf %add3A_424, %get3A_430 : vector<16xf32>
        %add3A_432 = arith.constant 5 : i32
        %add3A_433 = arith.addi %mul3A_279, %add3A_432 : i32
        %get3A_434 = arith.index_cast %add3A_433 : i32 to index
        %get3A_435 = arith.constant 16 : index
        %get3A_436 = tpu.vector_load %arg10[%get3A_434, %get3A_435] {strides = array<i32>} : memref<256x128xf32, #tpu.memory_space<vmem>>, vector<1x16xf32>,
        %get3A_437 = vector.shape_cast %get3A_436 : vector<1x16xf32> to vector<16xf32>
        %add3A_438 = arith.addf %add3A_431, %get3A_437 : vector<16xf32>
        %add3A_439 = arith.constant 6 : i32
        %add3A_440 = arith.addi %mul3A_279, %add3A_439 : i32
        %get3A_441 = arith.index_cast %add3A_440 : i32 to index
        %get3A_442 = arith.constant 16 : index
        %get3A_443 = tpu.vector_load %arg10[%get3A_441, %get3A_442] {strides = array<i32>} : memref<256x128xf32, #tpu.memory_space<vmem>>, vector<1x16xf32>,
        %get3A_444 = vector.shape_cast %get3A_443 : vector<1x16xf32> to vector<16xf32>
        %add3A_445 = arith.addf %add3A_438, %get3A_444 : vector<16xf32>
        %add3A_446 = arith.constant 7 : i32
        %add3A_447 = arith.addi %mul3A_279, %add3A_446 : i32
        %get3A_448 = arith.index_cast %add3A_447 : i32 to index
        %get3A_449 = arith.constant 16 : index
        %get3A_450 = tpu.vector_load %arg10[%get3A_448, %get3A_449] {strides = array<i32>} : memref<256x128xf32, #tpu.memory_space<vmem>>, vector<1x16xf32>,
        %get3A_451 = vector.shape_cast %get3A_450 : vector<1x16xf32> to vector<16xf32>
        %add3A_452 = arith.addf %add3A_445, %get3A_451 : vector<16xf32>
        %add3A_453 = arith.constant 8 : i32
        %add3A_454 = arith.addi %mul3A_279, %add3A_453 : i32
        %get3A_455 = arith.index_cast %add3A_454 : i32 to index
        %get3A_456 = arith.constant 16 : index
        %get3A_457 = tpu.vector_load %arg10[%get3A_455, %get3A_456] {strides = array<i32>} : memref<256x128xf32, #tpu.memory_space<vmem>>, vector<1x16xf32>,
        %get3A_458 = vector.shape_cast %get3A_457 : vector<1x16xf32> to vector<16xf32>
        %add3A_459 = arith.addf %add3A_452, %get3A_458 : vector<16xf32>
        %add3A_460 = arith.constant 9 : i32
        %add3A_461 = arith.addi %mul3A_279, %add3A_460 : i32
        %get3A_462 = arith.index_cast %add3A_461 : i32 to index
        %get3A_463 = arith.constant 16 : index
        %get3A_464 = tpu.vector_load %arg10[%get3A_462, %get3A_463] {strides = array<i32>} : memref<256x128xf32, #tpu.memory_space<vmem>>, vector<1x16xf32>,
        %get3A_465 = vector.shape_cast %get3A_464 : vector<1x16xf32> to vector<16xf32>
        %add3A_466 = arith.addf %add3A_459, %get3A_465 : vector<16xf32>
        %add3A_467 = arith.constant 10 : i32
        %add3A_468 = arith.addi %mul3A_279, %add3A_467 : i32
        %get3A_469 = arith.index_cast %add3A_468 : i32 to index
        %get3A_470 = arith.constant 16 : index
        %get3A_471 = tpu.vector_load %arg10[%get3A_469, %get3A_470] {strides = array<i32>} : memref<256x128xf32, #tpu.memory_space<vmem>>, vector<1x16xf32>,
        %get3A_472 = vector.shape_cast %get3A_471 : vector<1x16xf32> to vector<16xf32>
        %add3A_473 = arith.addf %add3A_466, %get3A_472 : vector<16xf32>
        %add3A_474 = arith.constant 11 : i32
        %add3A_475 = arith.addi %mul3A_279, %add3A_474 : i32
        %get3A_476 = arith.index_cast %add3A_475 : i32 to index
        %get3A_477 = arith.constant 16 : index
        %get3A_478 = tpu.vector_load %arg10[%get3A_476, %get3A_477] {strides = array<i32>} : memref<256x128xf32, #tpu.memory_space<vmem>>, vector<1x16xf32>,
        %get3A_479 = vector.shape_cast %get3A_478 : vector<1x16xf32> to vector<16xf32>
        %add3A_480 = arith.addf %add3A_473, %get3A_479 : vector<16xf32>
        %add3A_481 = arith.constant 12 : i32
        %add3A_482 = arith.addi %mul3A_279, %add3A_481 : i32
        %get3A_483 = arith.index_cast %add3A_482 : i32 to index
        %get3A_484 = arith.constant 16 : index
        %get3A_485 = tpu.vector_load %arg10[%get3A_483, %get3A_484] {strides = array<i32>} : memref<256x128xf32, #tpu.memory_space<vmem>>, vector<1x16xf32>,
        %get3A_486 = vector.shape_cast %get3A_485 : vector<1x16xf32> to vector<16xf32>
        %add3A_487 = arith.addf %add3A_480, %get3A_486 : vector<16xf32>
        %add3A_488 = arith.constant 13 : i32
        %add3A_489 = arith.addi %mul3A_279, %add3A_488 : i32
        %get3A_490 = arith.index_cast %add3A_489 : i32 to index
        %get3A_491 = arith.constant 16 : index
        %get3A_492 = tpu.vector_load %arg10[%get3A_490, %get3A_491] {strides = array<i32>} : memref<256x128xf32, #tpu.memory_space<vmem>>, vector<1x16xf32>,
        %get3A_493 = vector.shape_cast %get3A_492 : vector<1x16xf32> to vector<16xf32>
        %add3A_494 = arith.addf %add3A_487, %get3A_493 : vector<16xf32>
        %add3A_495 = arith.constant 14 : i32
        %add3A_496 = arith.addi %mul3A_279, %add3A_495 : i32
        %get3A_497 = arith.index_cast %add3A_496 : i32 to index
        %get3A_498 = arith.constant 16 : index
        %get3A_499 = tpu.vector_load %arg10[%get3A_497, %get3A_498] {strides = array<i32>} : memref<256x128xf32, #tpu.memory_space<vmem>>, vector<1x16xf32>,
        %get3A_500 = vector.shape_cast %get3A_499 : vector<1x16xf32> to vector<16xf32>
        %add3A_501 = arith.addf %add3A_494, %get3A_500 : vector<16xf32>
        %add3A_502 = arith.constant 15 : i32
        %add3A_503 = arith.addi %mul3A_279, %add3A_502 : i32
        %get3A_504 = arith.index_cast %add3A_503 : i32 to index
        %get3A_505 = arith.constant 16 : index
        %get3A_506 = tpu.vector_load %arg10[%get3A_504, %get3A_505] {strides = array<i32>} : memref<256x128xf32, #tpu.memory_space<vmem>>, vector<1x16xf32>,
        %get3A_507 = vector.shape_cast %get3A_506 : vector<1x16xf32> to vector<16xf32>
        %add3A_508 = arith.addf %add3A_501, %get3A_507 : vector<16xf32>
        %get3A_509 = arith.constant 16 : index
        %get3A_510 = tpu.vector_load %arg12[%get3A_509] {strides = array<i32>} : memref<128xf32, #tpu.memory_space<vmem>>, vector<16xf32>,
        %get3A_511 = vector.shape_cast %get3A_510 : vector<16xf32> to vector<16xf32>
        %add3A_512 = arith.addf %add3A_508, %get3A_511 : vector<16xf32>
        %max3A_513 = arith.constant 0.000000e+00 : f32
        %max3A_514 = vector.broadcast %max3A_513 : f32 to vector<16xf32>
        %max3A_515 = arith.maximumf %add3A_512, %max3A_514 : vector<16xf32>
        %swap3A_516 = arith.index_cast %scan3A_276 : i32 to index
        %swap3A_517 = arith.constant 16 : index
        %swap3A_518 = tpu.vector_load %arg11[%swap3A_516, %swap3A_517] {strides = array<i32>} : memref<16x128xf32, #tpu.memory_space<vmem>>, vector<1x16xf32>,
        %swap3A_519 = vector.shape_cast %swap3A_518 : vector<1x16xf32> to vector<16xf32>
        %swap3A_520 = vector.shape_cast %max3A_515 : vector<16xf32> to vector<1x16xf32>
        tpu.vector_store %arg11[%swap3A_516, %swap3A_517], %swap3A_520 {strides = array<i32>} : memref<16x128xf32, #tpu.memory_space<vmem>>, vector<1x16xf32>,
        %get3A_521 = arith.index_cast %mul3A_279 : i32 to index
        %get3A_522 = arith.constant 32 : index
        %get3A_523 = tpu.vector_load %arg10[%get3A_521, %get3A_522] {strides = array<i32>} : memref<256x128xf32, #tpu.memory_space<vmem>>, vector<1x16xf32>,
        %get3A_524 = vector.shape_cast %get3A_523 : vector<1x16xf32> to vector<16xf32>
        %add3A_525 = arith.constant 1 : i32
        %add3A_526 = arith.addi %mul3A_279, %add3A_525 : i32
        %get3A_527 = arith.index_cast %add3A_526 : i32 to index
        %get3A_528 = arith.constant 32 : index
        %get3A_529 = tpu.vector_load %arg10[%get3A_527, %get3A_528] {strides = array<i32>} : memref<256x128xf32, #tpu.memory_space<vmem>>, vector<1x16xf32>,
        %get3A_530 = vector.shape_cast %get3A_529 : vector<1x16xf32> to vector<16xf32>
        %add3A_531 = arith.addf %get3A_524, %get3A_530 : vector<16xf32>
        %add3A_532 = arith.constant 2 : i32
        %add3A_533 = arith.addi %mul3A_279, %add3A_532 : i32
        %get3A_534 = arith.index_cast %add3A_533 : i32 to index
        %get3A_535 = arith.constant 32 : index
        %get3A_536 = tpu.vector_load %arg10[%get3A_534, %get3A_535] {strides = array<i32>} : memref<256x128xf32, #tpu.memory_space<vmem>>, vector<1x16xf32>,
        %get3A_537 = vector.shape_cast %get3A_536 : vector<1x16xf32> to vector<16xf32>
        %add3A_538 = arith.addf %add3A_531, %get3A_537 : vector<16xf32>
        %add3A_539 = arith.constant 3 : i32
        %add3A_540 = arith.addi %mul3A_279, %add3A_539 : i32
        %get3A_541 = arith.index_cast %add3A_540 : i32 to index
        %get3A_542 = arith.constant 32 : index
        %get3A_543 = tpu.vector_load %arg10[%get3A_541, %get3A_542] {strides = array<i32>} : memref<256x128xf32, #tpu.memory_space<vmem>>, vector<1x16xf32>,
        %get3A_544 = vector.shape_cast %get3A_543 : vector<1x16xf32> to vector<16xf32>
        %add3A_545 = arith.addf %add3A_538, %get3A_544 : vector<16xf32>
        %add3A_546 = arith.constant 4 : i32
        %add3A_547 = arith.addi %mul3A_279, %add3A_546 : i32
        %get3A_548 = arith.index_cast %add3A_547 : i32 to index
        %get3A_549 = arith.constant 32 : index
        %get3A_550 = tpu.vector_load %arg10[%get3A_548, %get3A_549] {strides = array<i32>} : memref<256x128xf32, #tpu.memory_space<vmem>>, vector<1x16xf32>,
        %get3A_551 = vector.shape_cast %get3A_550 : vector<1x16xf32> to vector<16xf32>
        %add3A_552 = arith.addf %add3A_545, %get3A_551 : vector<16xf32>
        %add3A_553 = arith.constant 5 : i32
        %add3A_554 = arith.addi %mul3A_279, %add3A_553 : i32
        %get3A_555 = arith.index_cast %add3A_554 : i32 to index
        %get3A_556 = arith.constant 32 : index
        %get3A_557 = tpu.vector_load %arg10[%get3A_555, %get3A_556] {strides = array<i32>} : memref<256x128xf32, #tpu.memory_space<vmem>>, vector<1x16xf32>,
        %get3A_558 = vector.shape_cast %get3A_557 : vector<1x16xf32> to vector<16xf32>
        %add3A_559 = arith.addf %add3A_552, %get3A_558 : vector<16xf32>
        %add3A_560 = arith.constant 6 : i32
        %add3A_561 = arith.addi %mul3A_279, %add3A_560 : i32
        %get3A_562 = arith.index_cast %add3A_561 : i32 to index
        %get3A_563 = arith.constant 32 : index
        %get3A_564 = tpu.vector_load %arg10[%get3A_562, %get3A_563] {strides = array<i32>} : memref<256x128xf32, #tpu.memory_space<vmem>>, vector<1x16xf32>,
        %get3A_565 = vector.shape_cast %get3A_564 : vector<1x16xf32> to vector<16xf32>
        %add3A_566 = arith.addf %add3A_559, %get3A_565 : vector<16xf32>
        %add3A_567 = arith.constant 7 : i32
        %add3A_568 = arith.addi %mul3A_279, %add3A_567 : i32
        %get3A_569 = arith.index_cast %add3A_568 : i32 to index
        %get3A_570 = arith.constant 32 : index
        %get3A_571 = tpu.vector_load %arg10[%get3A_569, %get3A_570] {strides = array<i32>} : memref<256x128xf32, #tpu.memory_space<vmem>>, vector<1x16xf32>,
        %get3A_572 = vector.shape_cast %get3A_571 : vector<1x16xf32> to vector<16xf32>
        %add3A_573 = arith.addf %add3A_566, %get3A_572 : vector<16xf32>
        %add3A_574 = arith.constant 8 : i32
        %add3A_575 = arith.addi %mul3A_279, %add3A_574 : i32
        %get3A_576 = arith.index_cast %add3A_575 : i32 to index
        %get3A_577 = arith.constant 32 : index
        %get3A_578 = tpu.vector_load %arg10[%get3A_576, %get3A_577] {strides = array<i32>} : memref<256x128xf32, #tpu.memory_space<vmem>>, vector<1x16xf32>,
        %get3A_579 = vector.shape_cast %get3A_578 : vector<1x16xf32> to vector<16xf32>
        %add3A_580 = arith.addf %add3A_573, %get3A_579 : vector<16xf32>
        %add3A_581 = arith.constant 9 : i32
        %add3A_582 = arith.addi %mul3A_279, %add3A_581 : i32
        %get3A_583 = arith.index_cast %add3A_582 : i32 to index
        %get3A_584 = arith.constant 32 : index
        %get3A_585 = tpu.vector_load %arg10[%get3A_583, %get3A_584] {strides = array<i32>} : memref<256x128xf32, #tpu.memory_space<vmem>>, vector<1x16xf32>,
        %get3A_586 = vector.shape_cast %get3A_585 : vector<1x16xf32> to vector<16xf32>
        %add3A_587 = arith.addf %add3A_580, %get3A_586 : vector<16xf32>
        %add3A_588 = arith.constant 10 : i32
        %add3A_589 = arith.addi %mul3A_279, %add3A_588 : i32
        %get3A_590 = arith.index_cast %add3A_589 : i32 to index
        %get3A_591 = arith.constant 32 : index
        %get3A_592 = tpu.vector_load %arg10[%get3A_590, %get3A_591] {strides = array<i32>} : memref<256x128xf32, #tpu.memory_space<vmem>>, vector<1x16xf32>,
        %get3A_593 = vector.shape_cast %get3A_592 : vector<1x16xf32> to vector<16xf32>
        %add3A_594 = arith.addf %add3A_587, %get3A_593 : vector<16xf32>
        %add3A_595 = arith.constant 11 : i32
        %add3A_596 = arith.addi %mul3A_279, %add3A_595 : i32
        %get3A_597 = arith.index_cast %add3A_596 : i32 to index
        %get3A_598 = arith.constant 32 : index
        %get3A_599 = tpu.vector_load %arg10[%get3A_597, %get3A_598] {strides = array<i32>} : memref<256x128xf32, #tpu.memory_space<vmem>>, vector<1x16xf32>,
        %get3A_600 = vector.shape_cast %get3A_599 : vector<1x16xf32> to vector<16xf32>
        %add3A_601 = arith.addf %add3A_594, %get3A_600 : vector<16xf32>
        %add3A_602 = arith.constant 12 : i32
        %add3A_603 = arith.addi %mul3A_279, %add3A_602 : i32
        %get3A_604 = arith.index_cast %add3A_603 : i32 to index
        %get3A_605 = arith.constant 32 : index
        %get3A_606 = tpu.vector_load %arg10[%get3A_604, %get3A_605] {strides = array<i32>} : memref<256x128xf32, #tpu.memory_space<vmem>>, vector<1x16xf32>,
        %get3A_607 = vector.shape_cast %get3A_606 : vector<1x16xf32> to vector<16xf32>
        %add3A_608 = arith.addf %add3A_601, %get3A_607 : vector<16xf32>
        %add3A_609 = arith.constant 13 : i32
        %add3A_610 = arith.addi %mul3A_279, %add3A_609 : i32
        %get3A_611 = arith.index_cast %add3A_610 : i32 to index
        %get3A_612 = arith.constant 32 : index
        %get3A_613 = tpu.vector_load %arg10[%get3A_611, %get3A_612] {strides = array<i32>} : memref<256x128xf32, #tpu.memory_space<vmem>>, vector<1x16xf32>,
        %get3A_614 = vector.shape_cast %get3A_613 : vector<1x16xf32> to vector<16xf32>
        %add3A_615 = arith.addf %add3A_608, %get3A_614 : vector<16xf32>
        %add3A_616 = arith.constant 14 : i32
        %add3A_617 = arith.addi %mul3A_279, %add3A_616 : i32
        %get3A_618 = arith.index_cast %add3A_617 : i32 to index
        %get3A_619 = arith.constant 32 : index
        %get3A_620 = tpu.vector_load %arg10[%get3A_618, %get3A_619] {strides = array<i32>} : memref<256x128xf32, #tpu.memory_space<vmem>>, vector<1x16xf32>,
        %get3A_621 = vector.shape_cast %get3A_620 : vector<1x16xf32> to vector<16xf32>
        %add3A_622 = arith.addf %add3A_615, %get3A_621 : vector<16xf32>
        %add3A_623 = arith.constant 15 : i32
        %add3A_624 = arith.addi %mul3A_279, %add3A_623 : i32
        %get3A_625 = arith.index_cast %add3A_624 : i32 to index
        %get3A_626 = arith.constant 32 : index
        %get3A_627 = tpu.vector_load %arg10[%get3A_625, %get3A_626] {strides = array<i32>} : memref<256x128xf32, #tpu.memory_space<vmem>>, vector<1x16xf32>,
        %get3A_628 = vector.shape_cast %get3A_627 : vector<1x16xf32> to vector<16xf32>
        %add3A_629 = arith.addf %add3A_622, %get3A_628 : vector<16xf32>
        %get3A_630 = arith.constant 32 : index
        %get3A_631 = tpu.vector_load %arg12[%get3A_630] {strides = array<i32>} : memref<128xf32, #tpu.memory_space<vmem>>, vector<16xf32>,
        %get3A_632 = vector.shape_cast %get3A_631 : vector<16xf32> to vector<16xf32>
        %add3A_633 = arith.addf %add3A_629, %get3A_632 : vector<16xf32>
        %max3A_634 = arith.constant 0.000000e+00 : f32
        %max3A_635 = vector.broadcast %max3A_634 : f32 to vector<16xf32>
        %max3A_636 = arith.maximumf %add3A_633, %max3A_635 : vector<16xf32>
        %swap3A_637 = arith.index_cast %scan3A_276 : i32 to index
        %swap3A_638 = arith.constant 32 : index
        %swap3A_639 = tpu.vector_load %arg11[%swap3A_637, %swap3A_638] {strides = array<i32>} : memref<16x128xf32, #tpu.memory_space<vmem>>, vector<1x16xf32>,
        %swap3A_640 = vector.shape_cast %swap3A_639 : vector<1x16xf32> to vector<16xf32>
        %swap3A_641 = vector.shape_cast %max3A_636 : vector<16xf32> to vector<1x16xf32>
        tpu.vector_store %arg11[%swap3A_637, %swap3A_638], %swap3A_641 {strides = array<i32>} : memref<16x128xf32, #tpu.memory_space<vmem>>, vector<1x16xf32>,
        %get3A_642 = arith.index_cast %mul3A_279 : i32 to index
        %get3A_643 = arith.constant 48 : index
        %get3A_644 = tpu.vector_load %arg10[%get3A_642, %get3A_643] {strides = array<i32>} : memref<256x128xf32, #tpu.memory_space<vmem>>, vector<1x16xf32>,
        %get3A_645 = vector.shape_cast %get3A_644 : vector<1x16xf32> to vector<16xf32>
        %add3A_646 = arith.constant 1 : i32
        %add3A_647 = arith.addi %mul3A_279, %add3A_646 : i32
        %get3A_648 = arith.index_cast %add3A_647 : i32 to index
        %get3A_649 = arith.constant 48 : index
        %get3A_650 = tpu.vector_load %arg10[%get3A_648, %get3A_649] {strides = array<i32>} : memref<256x128xf32, #tpu.memory_space<vmem>>, vector<1x16xf32>,
        %get3A_651 = vector.shape_cast %get3A_650 : vector<1x16xf32> to vector<16xf32>
        %add3A_652 = arith.addf %get3A_645, %get3A_651 : vector<16xf32>
        %add3A_653 = arith.constant 2 : i32
        %add3A_654 = arith.addi %mul3A_279, %add3A_653 : i32
        %get3A_655 = arith.index_cast %add3A_654 : i32 to index
        %get3A_656 = arith.constant 48 : index
        %get3A_657 = tpu.vector_load %arg10[%get3A_655, %get3A_656] {strides = array<i32>} : memref<256x128xf32, #tpu.memory_space<vmem>>, vector<1x16xf32>,
        %get3A_658 = vector.shape_cast %get3A_657 : vector<1x16xf32> to vector<16xf32>
        %add3A_659 = arith.addf %add3A_652, %get3A_658 : vector<16xf32>
        %add3A_660 = arith.constant 3 : i32
        %add3A_661 = arith.addi %mul3A_279, %add3A_660 : i32
        %get3A_662 = arith.index_cast %add3A_661 : i32 to index
        %get3A_663 = arith.constant 48 : index
        %get3A_664 = tpu.vector_load %arg10[%get3A_662, %get3A_663] {strides = array<i32>} : memref<256x128xf32, #tpu.memory_space<vmem>>, vector<1x16xf32>,
        %get3A_665 = vector.shape_cast %get3A_664 : vector<1x16xf32> to vector<16xf32>
        %add3A_666 = arith.addf %add3A_659, %get3A_665 : vector<16xf32>
        %add3A_667 = arith.constant 4 : i32
        %add3A_668 = arith.addi %mul3A_279, %add3A_667 : i32
        %get3A_669 = arith.index_cast %add3A_668 : i32 to index
        %get3A_670 = arith.constant 48 : index
        %get3A_671 = tpu.vector_load %arg10[%get3A_669, %get3A_670] {strides = array<i32>} : memref<256x128xf32, #tpu.memory_space<vmem>>, vector<1x16xf32>,
        %get3A_672 = vector.shape_cast %get3A_671 : vector<1x16xf32> to vector<16xf32>
        %add3A_673 = arith.addf %add3A_666, %get3A_672 : vector<16xf32>
        %add3A_674 = arith.constant 5 : i32
        %add3A_675 = arith.addi %mul3A_279, %add3A_674 : i32
        %get3A_676 = arith.index_cast %add3A_675 : i32 to index
        %get3A_677 = arith.constant 48 : index
        %get3A_678 = tpu.vector_load %arg10[%get3A_676, %get3A_677] {strides = array<i32>} : memref<256x128xf32, #tpu.memory_space<vmem>>, vector<1x16xf32>,
        %get3A_679 = vector.shape_cast %get3A_678 : vector<1x16xf32> to vector<16xf32>
        %add3A_680 = arith.addf %add3A_673, %get3A_679 : vector<16xf32>
        %add3A_681 = arith.constant 6 : i32
        %add3A_682 = arith.addi %mul3A_279, %add3A_681 : i32
        %get3A_683 = arith.index_cast %add3A_682 : i32 to index
        %get3A_684 = arith.constant 48 : index
        %get3A_685 = tpu.vector_load %arg10[%get3A_683, %get3A_684] {strides = array<i32>} : memref<256x128xf32, #tpu.memory_space<vmem>>, vector<1x16xf32>,
        %get3A_686 = vector.shape_cast %get3A_685 : vector<1x16xf32> to vector<16xf32>
        %add3A_687 = arith.addf %add3A_680, %get3A_686 : vector<16xf32>
        %add3A_688 = arith.constant 7 : i32
        %add3A_689 = arith.addi %mul3A_279, %add3A_688 : i32
        %get3A_690 = arith.index_cast %add3A_689 : i32 to index
        %get3A_691 = arith.constant 48 : index
        %get3A_692 = tpu.vector_load %arg10[%get3A_690, %get3A_691] {strides = array<i32>} : memref<256x128xf32, #tpu.memory_space<vmem>>, vector<1x16xf32>,
        %get3A_693 = vector.shape_cast %get3A_692 : vector<1x16xf32> to vector<16xf32>
        %add3A_694 = arith.addf %add3A_687, %get3A_693 : vector<16xf32>
        %add3A_695 = arith.constant 8 : i32
        %add3A_696 = arith.addi %mul3A_279, %add3A_695 : i32
        %get3A_697 = arith.index_cast %add3A_696 : i32 to index
        %get3A_698 = arith.constant 48 : index
        %get3A_699 = tpu.vector_load %arg10[%get3A_697, %get3A_698] {strides = array<i32>} : memref<256x128xf32, #tpu.memory_space<vmem>>, vector<1x16xf32>,
        %get3A_700 = vector.shape_cast %get3A_699 : vector<1x16xf32> to vector<16xf32>
        %add3A_701 = arith.addf %add3A_694, %get3A_700 : vector<16xf32>
        %add3A_702 = arith.constant 9 : i32
        %add3A_703 = arith.addi %mul3A_279, %add3A_702 : i32
        %get3A_704 = arith.index_cast %add3A_703 : i32 to index
        %get3A_705 = arith.constant 48 : index
        %get3A_706 = tpu.vector_load %arg10[%get3A_704, %get3A_705] {strides = array<i32>} : memref<256x128xf32, #tpu.memory_space<vmem>>, vector<1x16xf32>,
        %get3A_707 = vector.shape_cast %get3A_706 : vector<1x16xf32> to vector<16xf32>
        %add3A_708 = arith.addf %add3A_701, %get3A_707 : vector<16xf32>
        %add3A_709 = arith.constant 10 : i32
        %add3A_710 = arith.addi %mul3A_279, %add3A_709 : i32
        %get3A_711 = arith.index_cast %add3A_710 : i32 to index
        %get3A_712 = arith.constant 48 : index
        %get3A_713 = tpu.vector_load %arg10[%get3A_711, %get3A_712] {strides = array<i32>} : memref<256x128xf32, #tpu.memory_space<vmem>>, vector<1x16xf32>,
        %get3A_714 = vector.shape_cast %get3A_713 : vector<1x16xf32> to vector<16xf32>
        %add3A_715 = arith.addf %add3A_708, %get3A_714 : vector<16xf32>
        %add3A_716 = arith.constant 11 : i32
        %add3A_717 = arith.addi %mul3A_279, %add3A_716 : i32
        %get3A_718 = arith.index_cast %add3A_717 : i32 to index
        %get3A_719 = arith.constant 48 : index
        %get3A_720 = tpu.vector_load %arg10[%get3A_718, %get3A_719] {strides = array<i32>} : memref<256x128xf32, #tpu.memory_space<vmem>>, vector<1x16xf32>,
        %get3A_721 = vector.shape_cast %get3A_720 : vector<1x16xf32> to vector<16xf32>
        %add3A_722 = arith.addf %add3A_715, %get3A_721 : vector<16xf32>
        %add3A_723 = arith.constant 12 : i32
        %add3A_724 = arith.addi %mul3A_279, %add3A_723 : i32
        %get3A_725 = arith.index_cast %add3A_724 : i32 to index
        %get3A_726 = arith.constant 48 : index
        %get3A_727 = tpu.vector_load %arg10[%get3A_725, %get3A_726] {strides = array<i32>} : memref<256x128xf32, #tpu.memory_space<vmem>>, vector<1x16xf32>,
        %get3A_728 = vector.shape_cast %get3A_727 : vector<1x16xf32> to vector<16xf32>
        %add3A_729 = arith.addf %add3A_722, %get3A_728 : vector<16xf32>
        %add3A_730 = arith.constant 13 : i32
        %add3A_731 = arith.addi %mul3A_279, %add3A_730 : i32
        %get3A_732 = arith.index_cast %add3A_731 : i32 to index
        %get3A_733 = arith.constant 48 : index
        %get3A_734 = tpu.vector_load %arg10[%get3A_732, %get3A_733] {strides = array<i32>} : memref<256x128xf32, #tpu.memory_space<vmem>>, vector<1x16xf32>,
        %get3A_735 = vector.shape_cast %get3A_734 : vector<1x16xf32> to vector<16xf32>
        %add3A_736 = arith.addf %add3A_729, %get3A_735 : vector<16xf32>
        %add3A_737 = arith.constant 14 : i32
        %add3A_738 = arith.addi %mul3A_279, %add3A_737 : i32
        %get3A_739 = arith.index_cast %add3A_738 : i32 to index
        %get3A_740 = arith.constant 48 : index
        %get3A_741 = tpu.vector_load %arg10[%get3A_739, %get3A_740] {strides = array<i32>} : memref<256x128xf32, #tpu.memory_space<vmem>>, vector<1x16xf32>,
        %get3A_742 = vector.shape_cast %get3A_741 : vector<1x16xf32> to vector<16xf32>
        %add3A_743 = arith.addf %add3A_736, %get3A_742 : vector<16xf32>
        %add3A_744 = arith.constant 15 : i32
        %add3A_745 = arith.addi %mul3A_279, %add3A_744 : i32
        %get3A_746 = arith.index_cast %add3A_745 : i32 to index
        %get3A_747 = arith.constant 48 : index
        %get3A_748 = tpu.vector_load %arg10[%get3A_746, %get3A_747] {strides = array<i32>} : memref<256x128xf32, #tpu.memory_space<vmem>>, vector<1x16xf32>,
        %get3A_749 = vector.shape_cast %get3A_748 : vector<1x16xf32> to vector<16xf32>
        %add3A_750 = arith.addf %add3A_743, %get3A_749 : vector<16xf32>
        %get3A_751 = arith.constant 48 : index
        %get3A_752 = tpu.vector_load %arg12[%get3A_751] {strides = array<i32>} : memref<128xf32, #tpu.memory_space<vmem>>, vector<16xf32>,
        %get3A_753 = vector.shape_cast %get3A_752 : vector<16xf32> to vector<16xf32>
        %add3A_754 = arith.addf %add3A_750, %get3A_753 : vector<16xf32>
        %max3A_755 = arith.constant 0.000000e+00 : f32
        %max3A_756 = vector.broadcast %max3A_755 : f32 to vector<16xf32>
        %max3A_757 = arith.maximumf %add3A_754, %max3A_756 : vector<16xf32>
        %swap3A_758 = arith.index_cast %scan3A_276 : i32 to index
        %swap3A_759 = arith.constant 48 : index
        %swap3A_760 = tpu.vector_load %arg11[%swap3A_758, %swap3A_759] {strides = array<i32>} : memref<16x128xf32, #tpu.memory_space<vmem>>, vector<1x16xf32>,
        %swap3A_761 = vector.shape_cast %swap3A_760 : vector<1x16xf32> to vector<16xf32>
        %swap3A_762 = vector.shape_cast %max3A_757 : vector<16xf32> to vector<1x16xf32>
        tpu.vector_store %arg11[%swap3A_758, %swap3A_759], %swap3A_762 {strides = array<i32>} : memref<16x128xf32, #tpu.memory_space<vmem>>, vector<1x16xf32>,
        %get3A_763 = arith.index_cast %mul3A_279 : i32 to index
        %get3A_764 = arith.constant 64 : index
        %get3A_765 = tpu.vector_load %arg10[%get3A_763, %get3A_764] {strides = array<i32>} : memref<256x128xf32, #tpu.memory_space<vmem>>, vector<1x16xf32>,
        %get3A_766 = vector.shape_cast %get3A_765 : vector<1x16xf32> to vector<16xf32>
        %add3A_767 = arith.constant 1 : i32
        %add3A_768 = arith.addi %mul3A_279, %add3A_767 : i32
        %get3A_769 = arith.index_cast %add3A_768 : i32 to index
        %get3A_770 = arith.constant 64 : index
        %get3A_771 = tpu.vector_load %arg10[%get3A_769, %get3A_770] {strides = array<i32>} : memref<256x128xf32, #tpu.memory_space<vmem>>, vector<1x16xf32>,
        %get3A_772 = vector.shape_cast %get3A_771 : vector<1x16xf32> to vector<16xf32>
        %add3A_773 = arith.addf %get3A_766, %get3A_772 : vector<16xf32>
        %add3A_774 = arith.constant 2 : i32
        %add3A_775 = arith.addi %mul3A_279, %add3A_774 : i32
        %get3A_776 = arith.index_cast %add3A_775 : i32 to index
        %get3A_777 = arith.constant 64 : index
        %get3A_778 = tpu.vector_load %arg10[%get3A_776, %get3A_777] {strides = array<i32>} : memref<256x128xf32, #tpu.memory_space<vmem>>, vector<1x16xf32>,
        %get3A_779 = vector.shape_cast %get3A_778 : vector<1x16xf32> to vector<16xf32>
        %add3A_780 = arith.addf %add3A_773, %get3A_779 : vector<16xf32>
        %add3A_781 = arith.constant 3 : i32
        %add3A_782 = arith.addi %mul3A_279, %add3A_781 : i32
        %get3A_783 = arith.index_cast %add3A_782 : i32 to index
        %get3A_784 = arith.constant 64 : index
        %get3A_785 = tpu.vector_load %arg10[%get3A_783, %get3A_784] {strides = array<i32>} : memref<256x128xf32, #tpu.memory_space<vmem>>, vector<1x16xf32>,
        %get3A_786 = vector.shape_cast %get3A_785 : vector<1x16xf32> to vector<16xf32>
        %add3A_787 = arith.addf %add3A_780, %get3A_786 : vector<16xf32>
        %add3A_788 = arith.constant 4 : i32
        %add3A_789 = arith.addi %mul3A_279, %add3A_788 : i32
        %get3A_790 = arith.index_cast %add3A_789 : i32 to index
        %get3A_791 = arith.constant 64 : index
        %get3A_792 = tpu.vector_load %arg10[%get3A_790, %get3A_791] {strides = array<i32>} : memref<256x128xf32, #tpu.memory_space<vmem>>, vector<1x16xf32>,
        %get3A_793 = vector.shape_cast %get3A_792 : vector<1x16xf32> to vector<16xf32>
        %add3A_794 = arith.addf %add3A_787, %get3A_793 : vector<16xf32>
        %add3A_795 = arith.constant 5 : i32
        %add3A_796 = arith.addi %mul3A_279, %add3A_795 : i32
        %get3A_797 = arith.index_cast %add3A_796 : i32 to index
        %get3A_798 = arith.constant 64 : index
        %get3A_799 = tpu.vector_load %arg10[%get3A_797, %get3A_798] {strides = array<i32>} : memref<256x128xf32, #tpu.memory_space<vmem>>, vector<1x16xf32>,
        %get3A_800 = vector.shape_cast %get3A_799 : vector<1x16xf32> to vector<16xf32>
        %add3A_801 = arith.addf %add3A_794, %get3A_800 : vector<16xf32>
        %add3A_802 = arith.constant 6 : i32
        %add3A_803 = arith.addi %mul3A_279, %add3A_802 : i32
        %get3A_804 = arith.index_cast %add3A_803 : i32 to index
        %get3A_805 = arith.constant 64 : index
        %get3A_806 = tpu.vector_load %arg10[%get3A_804, %get3A_805] {strides = array<i32>} : memref<256x128xf32, #tpu.memory_space<vmem>>, vector<1x16xf32>,
        %get3A_807 = vector.shape_cast %get3A_806 : vector<1x16xf32> to vector<16xf32>
        %add3A_808 = arith.addf %add3A_801, %get3A_807 : vector<16xf32>
        %add3A_809 = arith.constant 7 : i32
        %add3A_810 = arith.addi %mul3A_279, %add3A_809 : i32
        %get3A_811 = arith.index_cast %add3A_810 : i32 to index
        %get3A_812 = arith.constant 64 : index
        %get3A_813 = tpu.vector_load %arg10[%get3A_811, %get3A_812] {strides = array<i32>} : memref<256x128xf32, #tpu.memory_space<vmem>>, vector<1x16xf32>,
        %get3A_814 = vector.shape_cast %get3A_813 : vector<1x16xf32> to vector<16xf32>
        %add3A_815 = arith.addf %add3A_808, %get3A_814 : vector<16xf32>
        %add3A_816 = arith.constant 8 : i32
        %add3A_817 = arith.addi %mul3A_279, %add3A_816 : i32
        %get3A_818 = arith.index_cast %add3A_817 : i32 to index
        %get3A_819 = arith.constant 64 : index
        %get3A_820 = tpu.vector_load %arg10[%get3A_818, %get3A_819] {strides = array<i32>} : memref<256x128xf32, #tpu.memory_space<vmem>>, vector<1x16xf32>,
        %get3A_821 = vector.shape_cast %get3A_820 : vector<1x16xf32> to vector<16xf32>
        %add3A_822 = arith.addf %add3A_815, %get3A_821 : vector<16xf32>
        %add3A_823 = arith.constant 9 : i32
        %add3A_824 = arith.addi %mul3A_279, %add3A_823 : i32
        %get3A_825 = arith.index_cast %add3A_824 : i32 to index
        %get3A_826 = arith.constant 64 : index
        %get3A_827 = tpu.vector_load %arg10[%get3A_825, %get3A_826] {strides = array<i32>} : memref<256x128xf32, #tpu.memory_space<vmem>>, vector<1x16xf32>,
        %get3A_828 = vector.shape_cast %get3A_827 : vector<1x16xf32> to vector<16xf32>
        %add3A_829 = arith.addf %add3A_822, %get3A_828 : vector<16xf32>
        %add3A_830 = arith.constant 10 : i32
        %add3A_831 = arith.addi %mul3A_279, %add3A_830 : i32
        %get3A_832 = arith.index_cast %add3A_831 : i32 to index
        %get3A_833 = arith.constant 64 : index
        %get3A_834 = tpu.vector_load %arg10[%get3A_832, %get3A_833] {strides = array<i32>} : memref<256x128xf32, #tpu.memory_space<vmem>>, vector<1x16xf32>,
        %get3A_835 = vector.shape_cast %get3A_834 : vector<1x16xf32> to vector<16xf32>
        %add3A_836 = arith.addf %add3A_829, %get3A_835 : vector<16xf32>
        %add3A_837 = arith.constant 11 : i32
        %add3A_838 = arith.addi %mul3A_279, %add3A_837 : i32
        %get3A_839 = arith.index_cast %add3A_838 : i32 to index
        %get3A_840 = arith.constant 64 : index
        %get3A_841 = tpu.vector_load %arg10[%get3A_839, %get3A_840] {strides = array<i32>} : memref<256x128xf32, #tpu.memory_space<vmem>>, vector<1x16xf32>,
        %get3A_842 = vector.shape_cast %get3A_841 : vector<1x16xf32> to vector<16xf32>
        %add3A_843 = arith.addf %add3A_836, %get3A_842 : vector<16xf32>
        %add3A_844 = arith.constant 12 : i32
        %add3A_845 = arith.addi %mul3A_279, %add3A_844 : i32
        %get3A_846 = arith.index_cast %add3A_845 : i32 to index
        %get3A_847 = arith.constant 64 : index
        %get3A_848 = tpu.vector_load %arg10[%get3A_846, %get3A_847] {strides = array<i32>} : memref<256x128xf32, #tpu.memory_space<vmem>>, vector<1x16xf32>,
        %get3A_849 = vector.shape_cast %get3A_848 : vector<1x16xf32> to vector<16xf32>
        %add3A_850 = arith.addf %add3A_843, %get3A_849 : vector<16xf32>
        %add3A_851 = arith.constant 13 : i32
        %add3A_852 = arith.addi %mul3A_279, %add3A_851 : i32
        %get3A_853 = arith.index_cast %add3A_852 : i32 to index
        %get3A_854 = arith.constant 64 : index
        %get3A_855 = tpu.vector_load %arg10[%get3A_853, %get3A_854] {strides = array<i32>} : memref<256x128xf32, #tpu.memory_space<vmem>>, vector<1x16xf32>,
        %get3A_856 = vector.shape_cast %get3A_855 : vector<1x16xf32> to vector<16xf32>
        %add3A_857 = arith.addf %add3A_850, %get3A_856 : vector<16xf32>
        %add3A_858 = arith.constant 14 : i32
        %add3A_859 = arith.addi %mul3A_279, %add3A_858 : i32
        %get3A_860 = arith.index_cast %add3A_859 : i32 to index
        %get3A_861 = arith.constant 64 : index
        %get3A_862 = tpu.vector_load %arg10[%get3A_860, %get3A_861] {strides = array<i32>} : memref<256x128xf32, #tpu.memory_space<vmem>>, vector<1x16xf32>,
        %get3A_863 = vector.shape_cast %get3A_862 : vector<1x16xf32> to vector<16xf32>
        %add3A_864 = arith.addf %add3A_857, %get3A_863 : vector<16xf32>
        %add3A_865 = arith.constant 15 : i32
        %add3A_866 = arith.addi %mul3A_279, %add3A_865 : i32
        %get3A_867 = arith.index_cast %add3A_866 : i32 to index
        %get3A_868 = arith.constant 64 : index
        %get3A_869 = tpu.vector_load %arg10[%get3A_867, %get3A_868] {strides = array<i32>} : memref<256x128xf32, #tpu.memory_space<vmem>>, vector<1x16xf32>,
        %get3A_870 = vector.shape_cast %get3A_869 : vector<1x16xf32> to vector<16xf32>
        %add3A_871 = arith.addf %add3A_864, %get3A_870 : vector<16xf32>
        %get3A_872 = arith.constant 64 : index
        %get3A_873 = tpu.vector_load %arg12[%get3A_872] {strides = array<i32>} : memref<128xf32, #tpu.memory_space<vmem>>, vector<16xf32>,
        %get3A_874 = vector.shape_cast %get3A_873 : vector<16xf32> to vector<16xf32>
        %add3A_875 = arith.addf %add3A_871, %get3A_874 : vector<16xf32>
        %max3A_876 = arith.constant 0.000000e+00 : f32
        %max3A_877 = vector.broadcast %max3A_876 : f32 to vector<16xf32>
        %max3A_878 = arith.maximumf %add3A_875, %max3A_877 : vector<16xf32>
        %swap3A_879 = arith.index_cast %scan3A_276 : i32 to index
        %swap3A_880 = arith.constant 64 : index
        %swap3A_881 = tpu.vector_load %arg11[%swap3A_879, %swap3A_880] {strides = array<i32>} : memref<16x128xf32, #tpu.memory_space<vmem>>, vector<1x16xf32>,
        %swap3A_882 = vector.shape_cast %swap3A_881 : vector<1x16xf32> to vector<16xf32>
        %swap3A_883 = vector.shape_cast %max3A_878 : vector<16xf32> to vector<1x16xf32>
        tpu.vector_store %arg11[%swap3A_879, %swap3A_880], %swap3A_883 {strides = array<i32>} : memref<16x128xf32, #tpu.memory_space<vmem>>, vector<1x16xf32>,
        %get3A_884 = arith.index_cast %mul3A_279 : i32 to index
        %get3A_885 = arith.constant 80 : index
        %get3A_886 = tpu.vector_load %arg10[%get3A_884, %get3A_885] {strides = array<i32>} : memref<256x128xf32, #tpu.memory_space<vmem>>, vector<1x16xf32>,
        %get3A_887 = vector.shape_cast %get3A_886 : vector<1x16xf32> to vector<16xf32>
        %add3A_888 = arith.constant 1 : i32
        %add3A_889 = arith.addi %mul3A_279, %add3A_888 : i32
        %get3A_890 = arith.index_cast %add3A_889 : i32 to index
        %get3A_891 = arith.constant 80 : index
        %get3A_892 = tpu.vector_load %arg10[%get3A_890, %get3A_891] {strides = array<i32>} : memref<256x128xf32, #tpu.memory_space<vmem>>, vector<1x16xf32>,
        %get3A_893 = vector.shape_cast %get3A_892 : vector<1x16xf32> to vector<16xf32>
        %add3A_894 = arith.addf %get3A_887, %get3A_893 : vector<16xf32>
        %add3A_895 = arith.constant 2 : i32
        %add3A_896 = arith.addi %mul3A_279, %add3A_895 : i32
        %get3A_897 = arith.index_cast %add3A_896 : i32 to index
        %get3A_898 = arith.constant 80 : index
        %get3A_899 = tpu.vector_load %arg10[%get3A_897, %get3A_898] {strides = array<i32>} : memref<256x128xf32, #tpu.memory_space<vmem>>, vector<1x16xf32>,
        %get3A_900 = vector.shape_cast %get3A_899 : vector<1x16xf32> to vector<16xf32>
        %add3A_901 = arith.addf %add3A_894, %get3A_900 : vector<16xf32>
        %add3A_902 = arith.constant 3 : i32
        %add3A_903 = arith.addi %mul3A_279, %add3A_902 : i32
        %get3A_904 = arith.index_cast %add3A_903 : i32 to index
        %get3A_905 = arith.constant 80 : index
        %get3A_906 = tpu.vector_load %arg10[%get3A_904, %get3A_905] {strides = array<i32>} : memref<256x128xf32, #tpu.memory_space<vmem>>, vector<1x16xf32>,
        %get3A_907 = vector.shape_cast %get3A_906 : vector<1x16xf32> to vector<16xf32>
        %add3A_908 = arith.addf %add3A_901, %get3A_907 : vector<16xf32>
        %add3A_909 = arith.constant 4 : i32
        %add3A_910 = arith.addi %mul3A_279, %add3A_909 : i32
        %get3A_911 = arith.index_cast %add3A_910 : i32 to index
        %get3A_912 = arith.constant 80 : index
        %get3A_913 = tpu.vector_load %arg10[%get3A_911, %get3A_912] {strides = array<i32>} : memref<256x128xf32, #tpu.memory_space<vmem>>, vector<1x16xf32>,
        %get3A_914 = vector.shape_cast %get3A_913 : vector<1x16xf32> to vector<16xf32>
        %add3A_915 = arith.addf %add3A_908, %get3A_914 : vector<16xf32>
        %add3A_916 = arith.constant 5 : i32
        %add3A_917 = arith.addi %mul3A_279, %add3A_916 : i32
        %get3A_918 = arith.index_cast %add3A_917 : i32 to index
        %get3A_919 = arith.constant 80 : index
        %get3A_920 = tpu.vector_load %arg10[%get3A_918, %get3A_919] {strides = array<i32>} : memref<256x128xf32, #tpu.memory_space<vmem>>, vector<1x16xf32>,
        %get3A_921 = vector.shape_cast %get3A_920 : vector<1x16xf32> to vector<16xf32>
        %add3A_922 = arith.addf %add3A_915, %get3A_921 : vector<16xf32>
        %add3A_923 = arith.constant 6 : i32
        %add3A_924 = arith.addi %mul3A_279, %add3A_923 : i32
        %get3A_925 = arith.index_cast %add3A_924 : i32 to index
        %get3A_926 = arith.constant 80 : index
        %get3A_927 = tpu.vector_load %arg10[%get3A_925, %get3A_926] {strides = array<i32>} : memref<256x128xf32, #tpu.memory_space<vmem>>, vector<1x16xf32>,
        %get3A_928 = vector.shape_cast %get3A_927 : vector<1x16xf32> to vector<16xf32>
        %add3A_929 = arith.addf %add3A_922, %get3A_928 : vector<16xf32>
        %add3A_930 = arith.constant 7 : i32
        %add3A_931 = arith.addi %mul3A_279, %add3A_930 : i32
        %get3A_932 = arith.index_cast %add3A_931 : i32 to index
        %get3A_933 = arith.constant 80 : index
        %get3A_934 = tpu.vector_load %arg10[%get3A_932, %get3A_933] {strides = array<i32>} : memref<256x128xf32, #tpu.memory_space<vmem>>, vector<1x16xf32>,
        %get3A_935 = vector.shape_cast %get3A_934 : vector<1x16xf32> to vector<16xf32>
        %add3A_936 = arith.addf %add3A_929, %get3A_935 : vector<16xf32>
        %add3A_937 = arith.constant 8 : i32
        %add3A_938 = arith.addi %mul3A_279, %add3A_937 : i32
        %get3A_939 = arith.index_cast %add3A_938 : i32 to index
        %get3A_940 = arith.constant 80 : index
        %get3A_941 = tpu.vector_load %arg10[%get3A_939, %get3A_940] {strides = array<i32>} : memref<256x128xf32, #tpu.memory_space<vmem>>, vector<1x16xf32>,
        %get3A_942 = vector.shape_cast %get3A_941 : vector<1x16xf32> to vector<16xf32>
        %add3A_943 = arith.addf %add3A_936, %get3A_942 : vector<16xf32>
        %add3A_944 = arith.constant 9 : i32
        %add3A_945 = arith.addi %mul3A_279, %add3A_944 : i32
        %get3A_946 = arith.index_cast %add3A_945 : i32 to index
        %get3A_947 = arith.constant 80 : index
        %get3A_948 = tpu.vector_load %arg10[%get3A_946, %get3A_947] {strides = array<i32>} : memref<256x128xf32, #tpu.memory_space<vmem>>, vector<1x16xf32>,
        %get3A_949 = vector.shape_cast %get3A_948 : vector<1x16xf32> to vector<16xf32>
        %add3A_950 = arith.addf %add3A_943, %get3A_949 : vector<16xf32>
        %add3A_951 = arith.constant 10 : i32
        %add3A_952 = arith.addi %mul3A_279, %add3A_951 : i32
        %get3A_953 = arith.index_cast %add3A_952 : i32 to index
        %get3A_954 = arith.constant 80 : index
        %get3A_955 = tpu.vector_load %arg10[%get3A_953, %get3A_954] {strides = array<i32>} : memref<256x128xf32, #tpu.memory_space<vmem>>, vector<1x16xf32>,
        %get3A_956 = vector.shape_cast %get3A_955 : vector<1x16xf32> to vector<16xf32>
        %add3A_957 = arith.addf %add3A_950, %get3A_956 : vector<16xf32>
        %add3A_958 = arith.constant 11 : i32
        %add3A_959 = arith.addi %mul3A_279, %add3A_958 : i32
        %get3A_960 = arith.index_cast %add3A_959 : i32 to index
        %get3A_961 = arith.constant 80 : index
        %get3A_962 = tpu.vector_load %arg10[%get3A_960, %get3A_961] {strides = array<i32>} : memref<256x128xf32, #tpu.memory_space<vmem>>, vector<1x16xf32>,
        %get3A_963 = vector.shape_cast %get3A_962 : vector<1x16xf32> to vector<16xf32>
        %add3A_964 = arith.addf %add3A_957, %get3A_963 : vector<16xf32>
        %add3A_965 = arith.constant 12 : i32
        %add3A_966 = arith.addi %mul3A_279, %add3A_965 : i32
        %get3A_967 = arith.index_cast %add3A_966 : i32 to index
        %get3A_968 = arith.constant 80 : index
        %get3A_969 = tpu.vector_load %arg10[%get3A_967, %get3A_968] {strides = array<i32>} : memref<256x128xf32, #tpu.memory_space<vmem>>, vector<1x16xf32>,
        %get3A_970 = vector.shape_cast %get3A_969 : vector<1x16xf32> to vector<16xf32>
        %add3A_971 = arith.addf %add3A_964, %get3A_970 : vector<16xf32>
        %add3A_972 = arith.constant 13 : i32
        %add3A_973 = arith.addi %mul3A_279, %add3A_972 : i32
        %get3A_974 = arith.index_cast %add3A_973 : i32 to index
        %get3A_975 = arith.constant 80 : index
        %get3A_976 = tpu.vector_load %arg10[%get3A_974, %get3A_975] {strides = array<i32>} : memref<256x128xf32, #tpu.memory_space<vmem>>, vector<1x16xf32>,
        %get3A_977 = vector.shape_cast %get3A_976 : vector<1x16xf32> to vector<16xf32>
        %add3A_978 = arith.addf %add3A_971, %get3A_977 : vector<16xf32>
        %add3A_979 = arith.constant 14 : i32
        %add3A_980 = arith.addi %mul3A_279, %add3A_979 : i32
        %get3A_981 = arith.index_cast %add3A_980 : i32 to index
        %get3A_982 = arith.constant 80 : index
        %get3A_983 = tpu.vector_load %arg10[%get3A_981, %get3A_982] {strides = array<i32>} : memref<256x128xf32, #tpu.memory_space<vmem>>, vector<1x16xf32>,
        %get3A_984 = vector.shape_cast %get3A_983 : vector<1x16xf32> to vector<16xf32>
        %add3A_985 = arith.addf %add3A_978, %get3A_984 : vector<16xf32>
        %add3A_986 = arith.constant 15 : i32
        %add3A_987 = arith.addi %mul3A_279, %add3A_986 : i32
        %get3A_988 = arith.index_cast %add3A_987 : i32 to index
        %get3A_989 = arith.constant 80 : index
        %get3A_990 = tpu.vector_load %arg10[%get3A_988, %get3A_989] {strides = array<i32>} : memref<256x128xf32, #tpu.memory_space<vmem>>, vector<1x16xf32>,
        %get3A_991 = vector.shape_cast %get3A_990 : vector<1x16xf32> to vector<16xf32>
        %add3A_992 = arith.addf %add3A_985, %get3A_991 : vector<16xf32>
        %get3A_993 = arith.constant 80 : index
        %get3A_994 = tpu.vector_load %arg12[%get3A_993] {strides = array<i32>} : memref<128xf32, #tpu.memory_space<vmem>>, vector<16xf32>,
        %get3A_995 = vector.shape_cast %get3A_994 : vector<16xf32> to vector<16xf32>
        %add3A_996 = arith.addf %add3A_992, %get3A_995 : vector<16xf32>
        %max3A_997 = arith.constant 0.000000e+00 : f32
        %max3A_998 = vector.broadcast %max3A_997 : f32 to vector<16xf32>
        %max3A_999 = arith.maximumf %add3A_996, %max3A_998 : vector<16xf32>
        %swap3A_1000 = arith.index_cast %scan3A_276 : i32 to index
        %swap3A_1001 = arith.constant 80 : index
        %swap3A_1002 = tpu.vector_load %arg11[%swap3A_1000, %swap3A_1001] {strides = array<i32>} : memref<16x128xf32, #tpu.memory_space<vmem>>, vector<1x16xf32>,
        %swap3A_1003 = vector.shape_cast %swap3A_1002 : vector<1x16xf32> to vector<16xf32>
        %swap3A_1004 = vector.shape_cast %max3A_999 : vector<16xf32> to vector<1x16xf32>
        tpu.vector_store %arg11[%swap3A_1000, %swap3A_1001], %swap3A_1004 {strides = array<i32>} : memref<16x128xf32, #tpu.memory_space<vmem>>, vector<1x16xf32>,
        %get3A_1005 = arith.index_cast %mul3A_279 : i32 to index
        %get3A_1006 = arith.constant 96 : index
        %get3A_1007 = tpu.vector_load %arg10[%get3A_1005, %get3A_1006] {strides = array<i32>} : memref<256x128xf32, #tpu.memory_space<vmem>>, vector<1x16xf32>,
        %get3A_1008 = vector.shape_cast %get3A_1007 : vector<1x16xf32> to vector<16xf32>
        %add3A_1009 = arith.constant 1 : i32
        %add3A_1010 = arith.addi %mul3A_279, %add3A_1009 : i32
        %get3A_1011 = arith.index_cast %add3A_1010 : i32 to index
        %get3A_1012 = arith.constant 96 : index
        %get3A_1013 = tpu.vector_load %arg10[%get3A_1011, %get3A_1012] {strides = array<i32>} : memref<256x128xf32, #tpu.memory_space<vmem>>, vector<1x16xf32>,
        %get3A_1014 = vector.shape_cast %get3A_1013 : vector<1x16xf32> to vector<16xf32>
        %add3A_1015 = arith.addf %get3A_1008, %get3A_1014 : vector<16xf32>
        %add3A_1016 = arith.constant 2 : i32
        %add3A_1017 = arith.addi %mul3A_279, %add3A_1016 : i32
        %get3A_1018 = arith.index_cast %add3A_1017 : i32 to index
        %get3A_1019 = arith.constant 96 : index
        %get3A_1020 = tpu.vector_load %arg10[%get3A_1018, %get3A_1019] {strides = array<i32>} : memref<256x128xf32, #tpu.memory_space<vmem>>, vector<1x16xf32>,
        %get3A_1021 = vector.shape_cast %get3A_1020 : vector<1x16xf32> to vector<16xf32>
        %add3A_1022 = arith.addf %add3A_1015, %get3A_1021 : vector<16xf32>
        %add3A_1023 = arith.constant 3 : i32
        %add3A_1024 = arith.addi %mul3A_279, %add3A_1023 : i32
        %get3A_1025 = arith.index_cast %add3A_1024 : i32 to index
        %get3A_1026 = arith.constant 96 : index
        %get3A_1027 = tpu.vector_load %arg10[%get3A_1025, %get3A_1026] {strides = array<i32>} : memref<256x128xf32, #tpu.memory_space<vmem>>, vector<1x16xf32>,
        %get3A_1028 = vector.shape_cast %get3A_1027 : vector<1x16xf32> to vector<16xf32>
        %add3A_1029 = arith.addf %add3A_1022, %get3A_1028 : vector<16xf32>
        %add3A_1030 = arith.constant 4 : i32
        %add3A_1031 = arith.addi %mul3A_279, %add3A_1030 : i32
        %get3A_1032 = arith.index_cast %add3A_1031 : i32 to index
        %get3A_1033 = arith.constant 96 : index
        %get3A_1034 = tpu.vector_load %arg10[%get3A_1032, %get3A_1033] {strides = array<i32>} : memref<256x128xf32, #tpu.memory_space<vmem>>, vector<1x16xf32>,
        %get3A_1035 = vector.shape_cast %get3A_1034 : vector<1x16xf32> to vector<16xf32>
        %add3A_1036 = arith.addf %add3A_1029, %get3A_1035 : vector<16xf32>
        %add3A_1037 = arith.constant 5 : i32
        %add3A_1038 = arith.addi %mul3A_279, %add3A_1037 : i32
        %get3A_1039 = arith.index_cast %add3A_1038 : i32 to index
        %get3A_1040 = arith.constant 96 : index
        %get3A_1041 = tpu.vector_load %arg10[%get3A_1039, %get3A_1040] {strides = array<i32>} : memref<256x128xf32, #tpu.memory_space<vmem>>, vector<1x16xf32>,
        %get3A_1042 = vector.shape_cast %get3A_1041 : vector<1x16xf32> to vector<16xf32>
        %add3A_1043 = arith.addf %add3A_1036, %get3A_1042 : vector<16xf32>
        %add3A_1044 = arith.constant 6 : i32
        %add3A_1045 = arith.addi %mul3A_279, %add3A_1044 : i32
        %get3A_1046 = arith.index_cast %add3A_1045 : i32 to index
        %get3A_1047 = arith.constant 96 : index
        %get3A_1048 = tpu.vector_load %arg10[%get3A_1046, %get3A_1047] {strides = array<i32>} : memref<256x128xf32, #tpu.memory_space<vmem>>, vector<1x16xf32>,
        %get3A_1049 = vector.shape_cast %get3A_1048 : vector<1x16xf32> to vector<16xf32>
        %add3A_1050 = arith.addf %add3A_1043, %get3A_1049 : vector<16xf32>
        %add3A_1051 = arith.constant 7 : i32
        %add3A_1052 = arith.addi %mul3A_279, %add3A_1051 : i32
        %get3A_1053 = arith.index_cast %add3A_1052 : i32 to index
        %get3A_1054 = arith.constant 96 : index
        %get3A_1055 = tpu.vector_load %arg10[%get3A_1053, %get3A_1054] {strides = array<i32>} : memref<256x128xf32, #tpu.memory_space<vmem>>, vector<1x16xf32>,
        %get3A_1056 = vector.shape_cast %get3A_1055 : vector<1x16xf32> to vector<16xf32>
        %add3A_1057 = arith.addf %add3A_1050, %get3A_1056 : vector<16xf32>
        %add3A_1058 = arith.constant 8 : i32
        %add3A_1059 = arith.addi %mul3A_279, %add3A_1058 : i32
        %get3A_1060 = arith.index_cast %add3A_1059 : i32 to index
        %get3A_1061 = arith.constant 96 : index
        %get3A_1062 = tpu.vector_load %arg10[%get3A_1060, %get3A_1061] {strides = array<i32>} : memref<256x128xf32, #tpu.memory_space<vmem>>, vector<1x16xf32>,
        %get3A_1063 = vector.shape_cast %get3A_1062 : vector<1x16xf32> to vector<16xf32>
        %add3A_1064 = arith.addf %add3A_1057, %get3A_1063 : vector<16xf32>
        %add3A_1065 = arith.constant 9 : i32
        %add3A_1066 = arith.addi %mul3A_279, %add3A_1065 : i32
        %get3A_1067 = arith.index_cast %add3A_1066 : i32 to index
        %get3A_1068 = arith.constant 96 : index
        %get3A_1069 = tpu.vector_load %arg10[%get3A_1067, %get3A_1068] {strides = array<i32>} : memref<256x128xf32, #tpu.memory_space<vmem>>, vector<1x16xf32>,
        %get3A_1070 = vector.shape_cast %get3A_1069 : vector<1x16xf32> to vector<16xf32>
        %add3A_1071 = arith.addf %add3A_1064, %get3A_1070 : vector<16xf32>
        %add3A_1072 = arith.constant 10 : i32
        %add3A_1073 = arith.addi %mul3A_279, %add3A_1072 : i32
        %get3A_1074 = arith.index_cast %add3A_1073 : i32 to index
        %get3A_1075 = arith.constant 96 : index
        %get3A_1076 = tpu.vector_load %arg10[%get3A_1074, %get3A_1075] {strides = array<i32>} : memref<256x128xf32, #tpu.memory_space<vmem>>, vector<1x16xf32>,
        %get3A_1077 = vector.shape_cast %get3A_1076 : vector<1x16xf32> to vector<16xf32>
        %add3A_1078 = arith.addf %add3A_1071, %get3A_1077 : vector<16xf32>
        %add3A_1079 = arith.constant 11 : i32
        %add3A_1080 = arith.addi %mul3A_279, %add3A_1079 : i32
        %get3A_1081 = arith.index_cast %add3A_1080 : i32 to index
        %get3A_1082 = arith.constant 96 : index
        %get3A_1083 = tpu.vector_load %arg10[%get3A_1081, %get3A_1082] {strides = array<i32>} : memref<256x128xf32, #tpu.memory_space<vmem>>, vector<1x16xf32>,
        %get3A_1084 = vector.shape_cast %get3A_1083 : vector<1x16xf32> to vector<16xf32>
        %add3A_1085 = arith.addf %add3A_1078, %get3A_1084 : vector<16xf32>
        %add3A_1086 = arith.constant 12 : i32
        %add3A_1087 = arith.addi %mul3A_279, %add3A_1086 : i32
        %get3A_1088 = arith.index_cast %add3A_1087 : i32 to index
        %get3A_1089 = arith.constant 96 : index
        %get3A_1090 = tpu.vector_load %arg10[%get3A_1088, %get3A_1089] {strides = array<i32>} : memref<256x128xf32, #tpu.memory_space<vmem>>, vector<1x16xf32>,
        %get3A_1091 = vector.shape_cast %get3A_1090 : vector<1x16xf32> to vector<16xf32>
        %add3A_1092 = arith.addf %add3A_1085, %get3A_1091 : vector<16xf32>
        %add3A_1093 = arith.constant 13 : i32
        %add3A_1094 = arith.addi %mul3A_279, %add3A_1093 : i32
        %get3A_1095 = arith.index_cast %add3A_1094 : i32 to index
        %get3A_1096 = arith.constant 96 : index
        %get3A_1097 = tpu.vector_load %arg10[%get3A_1095, %get3A_1096] {strides = array<i32>} : memref<256x128xf32, #tpu.memory_space<vmem>>, vector<1x16xf32>,
        %get3A_1098 = vector.shape_cast %get3A_1097 : vector<1x16xf32> to vector<16xf32>
        %add3A_1099 = arith.addf %add3A_1092, %get3A_1098 : vector<16xf32>
        %add3A_1100 = arith.constant 14 : i32
        %add3A_1101 = arith.addi %mul3A_279, %add3A_1100 : i32
        %get3A_1102 = arith.index_cast %add3A_1101 : i32 to index
        %get3A_1103 = arith.constant 96 : index
        %get3A_1104 = tpu.vector_load %arg10[%get3A_1102, %get3A_1103] {strides = array<i32>} : memref<256x128xf32, #tpu.memory_space<vmem>>, vector<1x16xf32>,
        %get3A_1105 = vector.shape_cast %get3A_1104 : vector<1x16xf32> to vector<16xf32>
        %add3A_1106 = arith.addf %add3A_1099, %get3A_1105 : vector<16xf32>
        %add3A_1107 = arith.constant 15 : i32
        %add3A_1108 = arith.addi %mul3A_279, %add3A_1107 : i32
        %get3A_1109 = arith.index_cast %add3A_1108 : i32 to index
        %get3A_1110 = arith.constant 96 : index
        %get3A_1111 = tpu.vector_load %arg10[%get3A_1109, %get3A_1110] {strides = array<i32>} : memref<256x128xf32, #tpu.memory_space<vmem>>, vector<1x16xf32>,
        %get3A_1112 = vector.shape_cast %get3A_1111 : vector<1x16xf32> to vector<16xf32>
        %add3A_1113 = arith.addf %add3A_1106, %get3A_1112 : vector<16xf32>
        %get3A_1114 = arith.constant 96 : index
        %get3A_1115 = tpu.vector_load %arg12[%get3A_1114] {strides = array<i32>} : memref<128xf32, #tpu.memory_space<vmem>>, vector<16xf32>,
        %get3A_1116 = vector.shape_cast %get3A_1115 : vector<16xf32> to vector<16xf32>
        %add3A_1117 = arith.addf %add3A_1113, %get3A_1116 : vector<16xf32>
        %max3A_1118 = arith.constant 0.000000e+00 : f32
        %max3A_1119 = vector.broadcast %max3A_1118 : f32 to vector<16xf32>
        %max3A_1120 = arith.maximumf %add3A_1117, %max3A_1119 : vector<16xf32>
        %swap3A_1121 = arith.index_cast %scan3A_276 : i32 to index
        %swap3A_1122 = arith.constant 96 : index
        %swap3A_1123 = tpu.vector_load %arg11[%swap3A_1121, %swap3A_1122] {strides = array<i32>} : memref<16x128xf32, #tpu.memory_space<vmem>>, vector<1x16xf32>,
        %swap3A_1124 = vector.shape_cast %swap3A_1123 : vector<1x16xf32> to vector<16xf32>
        %swap3A_1125 = vector.shape_cast %max3A_1120 : vector<16xf32> to vector<1x16xf32>
        tpu.vector_store %arg11[%swap3A_1121, %swap3A_1122], %swap3A_1125 {strides = array<i32>} : memref<16x128xf32, #tpu.memory_space<vmem>>, vector<1x16xf32>,
        %get3A_1126 = arith.index_cast %mul3A_279 : i32 to index
        %get3A_1127 = arith.constant 112 : index
        %get3A_1128 = tpu.vector_load %arg10[%get3A_1126, %get3A_1127] {strides = array<i32>} : memref<256x128xf32, #tpu.memory_space<vmem>>, vector<1x16xf32>,
        %get3A_1129 = vector.shape_cast %get3A_1128 : vector<1x16xf32> to vector<16xf32>
        %add3A_1130 = arith.constant 1 : i32
        %add3A_1131 = arith.addi %mul3A_279, %add3A_1130 : i32
        %get3A_1132 = arith.index_cast %add3A_1131 : i32 to index
        %get3A_1133 = arith.constant 112 : index
        %get3A_1134 = tpu.vector_load %arg10[%get3A_1132, %get3A_1133] {strides = array<i32>} : memref<256x128xf32, #tpu.memory_space<vmem>>, vector<1x16xf32>,
        %get3A_1135 = vector.shape_cast %get3A_1134 : vector<1x16xf32> to vector<16xf32>
        %add3A_1136 = arith.addf %get3A_1129, %get3A_1135 : vector<16xf32>
        %add3A_1137 = arith.constant 2 : i32
        %add3A_1138 = arith.addi %mul3A_279, %add3A_1137 : i32
        %get3A_1139 = arith.index_cast %add3A_1138 : i32 to index
        %get3A_1140 = arith.constant 112 : index
        %get3A_1141 = tpu.vector_load %arg10[%get3A_1139, %get3A_1140] {strides = array<i32>} : memref<256x128xf32, #tpu.memory_space<vmem>>, vector<1x16xf32>,
        %get3A_1142 = vector.shape_cast %get3A_1141 : vector<1x16xf32> to vector<16xf32>
        %add3A_1143 = arith.addf %add3A_1136, %get3A_1142 : vector<16xf32>
        %add3A_1144 = arith.constant 3 : i32
        %add3A_1145 = arith.addi %mul3A_279, %add3A_1144 : i32
        %get3A_1146 = arith.index_cast %add3A_1145 : i32 to index
        %get3A_1147 = arith.constant 112 : index
        %get3A_1148 = tpu.vector_load %arg10[%get3A_1146, %get3A_1147] {strides = array<i32>} : memref<256x128xf32, #tpu.memory_space<vmem>>, vector<1x16xf32>,
        %get3A_1149 = vector.shape_cast %get3A_1148 : vector<1x16xf32> to vector<16xf32>
        %add3A_1150 = arith.addf %add3A_1143, %get3A_1149 : vector<16xf32>
        %add3A_1151 = arith.constant 4 : i32
        %add3A_1152 = arith.addi %mul3A_279, %add3A_1151 : i32
        %get3A_1153 = arith.index_cast %add3A_1152 : i32 to index
        %get3A_1154 = arith.constant 112 : index
        %get3A_1155 = tpu.vector_load %arg10[%get3A_1153, %get3A_1154] {strides = array<i32>} : memref<256x128xf32, #tpu.memory_space<vmem>>, vector<1x16xf32>,
        %get3A_1156 = vector.shape_cast %get3A_1155 : vector<1x16xf32> to vector<16xf32>
        %add3A_1157 = arith.addf %add3A_1150, %get3A_1156 : vector<16xf32>
        %add3A_1158 = arith.constant 5 : i32
        %add3A_1159 = arith.addi %mul3A_279, %add3A_1158 : i32
        %get3A_1160 = arith.index_cast %add3A_1159 : i32 to index
        %get3A_1161 = arith.constant 112 : index
        %get3A_1162 = tpu.vector_load %arg10[%get3A_1160, %get3A_1161] {strides = array<i32>} : memref<256x128xf32, #tpu.memory_space<vmem>>, vector<1x16xf32>,
        %get3A_1163 = vector.shape_cast %get3A_1162 : vector<1x16xf32> to vector<16xf32>
        %add3A_1164 = arith.addf %add3A_1157, %get3A_1163 : vector<16xf32>
        %add3A_1165 = arith.constant 6 : i32
        %add3A_1166 = arith.addi %mul3A_279, %add3A_1165 : i32
        %get3A_1167 = arith.index_cast %add3A_1166 : i32 to index
        %get3A_1168 = arith.constant 112 : index
        %get3A_1169 = tpu.vector_load %arg10[%get3A_1167, %get3A_1168] {strides = array<i32>} : memref<256x128xf32, #tpu.memory_space<vmem>>, vector<1x16xf32>,
        %get3A_1170 = vector.shape_cast %get3A_1169 : vector<1x16xf32> to vector<16xf32>
        %add3A_1171 = arith.addf %add3A_1164, %get3A_1170 : vector<16xf32>
        %add3A_1172 = arith.constant 7 : i32
        %add3A_1173 = arith.addi %mul3A_279, %add3A_1172 : i32
        %get3A_1174 = arith.index_cast %add3A_1173 : i32 to index
        %get3A_1175 = arith.constant 112 : index
        %get3A_1176 = tpu.vector_load %arg10[%get3A_1174, %get3A_1175] {strides = array<i32>} : memref<256x128xf32, #tpu.memory_space<vmem>>, vector<1x16xf32>,
        %get3A_1177 = vector.shape_cast %get3A_1176 : vector<1x16xf32> to vector<16xf32>
        %add3A_1178 = arith.addf %add3A_1171, %get3A_1177 : vector<16xf32>
        %add3A_1179 = arith.constant 8 : i32
        %add3A_1180 = arith.addi %mul3A_279, %add3A_1179 : i32
        %get3A_1181 = arith.index_cast %add3A_1180 : i32 to index
        %get3A_1182 = arith.constant 112 : index
        %get3A_1183 = tpu.vector_load %arg10[%get3A_1181, %get3A_1182] {strides = array<i32>} : memref<256x128xf32, #tpu.memory_space<vmem>>, vector<1x16xf32>,
        %get3A_1184 = vector.shape_cast %get3A_1183 : vector<1x16xf32> to vector<16xf32>
        %add3A_1185 = arith.addf %add3A_1178, %get3A_1184 : vector<16xf32>
        %add3A_1186 = arith.constant 9 : i32
        %add3A_1187 = arith.addi %mul3A_279, %add3A_1186 : i32
        %get3A_1188 = arith.index_cast %add3A_1187 : i32 to index
        %get3A_1189 = arith.constant 112 : index
        %get3A_1190 = tpu.vector_load %arg10[%get3A_1188, %get3A_1189] {strides = array<i32>} : memref<256x128xf32, #tpu.memory_space<vmem>>, vector<1x16xf32>,
        %get3A_1191 = vector.shape_cast %get3A_1190 : vector<1x16xf32> to vector<16xf32>
        %add3A_1192 = arith.addf %add3A_1185, %get3A_1191 : vector<16xf32>
        %add3A_1193 = arith.constant 10 : i32
        %add3A_1194 = arith.addi %mul3A_279, %add3A_1193 : i32
        %get3A_1195 = arith.index_cast %add3A_1194 : i32 to index
        %get3A_1196 = arith.constant 112 : index
        %get3A_1197 = tpu.vector_load %arg10[%get3A_1195, %get3A_1196] {strides = array<i32>} : memref<256x128xf32, #tpu.memory_space<vmem>>, vector<1x16xf32>,
        %get3A_1198 = vector.shape_cast %get3A_1197 : vector<1x16xf32> to vector<16xf32>
        %add3A_1199 = arith.addf %add3A_1192, %get3A_1198 : vector<16xf32>
        %add3A_1200 = arith.constant 11 : i32
        %add3A_1201 = arith.addi %mul3A_279, %add3A_1200 : i32
        %get3A_1202 = arith.index_cast %add3A_1201 : i32 to index
        %get3A_1203 = arith.constant 112 : index
        %get3A_1204 = tpu.vector_load %arg10[%get3A_1202, %get3A_1203] {strides = array<i32>} : memref<256x128xf32, #tpu.memory_space<vmem>>, vector<1x16xf32>,
        %get3A_1205 = vector.shape_cast %get3A_1204 : vector<1x16xf32> to vector<16xf32>
        %add3A_1206 = arith.addf %add3A_1199, %get3A_1205 : vector<16xf32>
        %add3A_1207 = arith.constant 12 : i32
        %add3A_1208 = arith.addi %mul3A_279, %add3A_1207 : i32
        %get3A_1209 = arith.index_cast %add3A_1208 : i32 to index
        %get3A_1210 = arith.constant 112 : index
        %get3A_1211 = tpu.vector_load %arg10[%get3A_1209, %get3A_1210] {strides = array<i32>} : memref<256x128xf32, #tpu.memory_space<vmem>>, vector<1x16xf32>,
        %get3A_1212 = vector.shape_cast %get3A_1211 : vector<1x16xf32> to vector<16xf32>
        %add3A_1213 = arith.addf %add3A_1206, %get3A_1212 : vector<16xf32>
        %add3A_1214 = arith.constant 13 : i32
        %add3A_1215 = arith.addi %mul3A_279, %add3A_1214 : i32
        %get3A_1216 = arith.index_cast %add3A_1215 : i32 to index
        %get3A_1217 = arith.constant 112 : index
        %get3A_1218 = tpu.vector_load %arg10[%get3A_1216, %get3A_1217] {strides = array<i32>} : memref<256x128xf32, #tpu.memory_space<vmem>>, vector<1x16xf32>,
        %get3A_1219 = vector.shape_cast %get3A_1218 : vector<1x16xf32> to vector<16xf32>
        %add3A_1220 = arith.addf %add3A_1213, %get3A_1219 : vector<16xf32>
        %add3A_1221 = arith.constant 14 : i32
        %add3A_1222 = arith.addi %mul3A_279, %add3A_1221 : i32
        %get3A_1223 = arith.index_cast %add3A_1222 : i32 to index
        %get3A_1224 = arith.constant 112 : index
        %get3A_1225 = tpu.vector_load %arg10[%get3A_1223, %get3A_1224] {strides = array<i32>} : memref<256x128xf32, #tpu.memory_space<vmem>>, vector<1x16xf32>,
        %get3A_1226 = vector.shape_cast %get3A_1225 : vector<1x16xf32> to vector<16xf32>
        %add3A_1227 = arith.addf %add3A_1220, %get3A_1226 : vector<16xf32>
        %add3A_1228 = arith.constant 15 : i32
        %add3A_1229 = arith.addi %mul3A_279, %add3A_1228 : i32
        %get3A_1230 = arith.index_cast %add3A_1229 : i32 to index
        %get3A_1231 = arith.constant 112 : index
        %get3A_1232 = tpu.vector_load %arg10[%get3A_1230, %get3A_1231] {strides = array<i32>} : memref<256x128xf32, #tpu.memory_space<vmem>>, vector<1x16xf32>,
        %get3A_1233 = vector.shape_cast %get3A_1232 : vector<1x16xf32> to vector<16xf32>
        %add3A_1234 = arith.addf %add3A_1227, %get3A_1233 : vector<16xf32>
        %get3A_1235 = arith.constant 112 : index
        %get3A_1236 = tpu.vector_load %arg12[%get3A_1235] {strides = array<i32>} : memref<128xf32, #tpu.memory_space<vmem>>, vector<16xf32>,
        %get3A_1237 = vector.shape_cast %get3A_1236 : vector<16xf32> to vector<16xf32>
        %add3A_1238 = arith.addf %add3A_1234, %get3A_1237 : vector<16xf32>
        %max3A_1239 = arith.constant 0.000000e+00 : f32
        %max3A_1240 = vector.broadcast %max3A_1239 : f32 to vector<16xf32>
        %max3A_1241 = arith.maximumf %add3A_1238, %max3A_1240 : vector<16xf32>
        %swap3A_1242 = arith.index_cast %scan3A_276 : i32 to index
        %swap3A_1243 = arith.constant 112 : index
        %swap3A_1244 = tpu.vector_load %arg11[%swap3A_1242, %swap3A_1243] {strides = array<i32>} : memref<16x128xf32, #tpu.memory_space<vmem>>, vector<1x16xf32>,
        %swap3A_1245 = vector.shape_cast %swap3A_1244 : vector<1x16xf32> to vector<16xf32>
        %swap3A_1246 = vector.shape_cast %max3A_1241 : vector<16xf32> to vector<1x16xf32>
        tpu.vector_store %arg11[%swap3A_1242, %swap3A_1243], %swap3A_1246 {strides = array<i32>} : memref<16x128xf32, #tpu.memory_space<vmem>>, vector<1x16xf32>,
        %scan3A_1247 = arith.constant 0 : i32
        scf.yield %scan3A_1247 : i32
      }
      %scan3A_274 = arith.constant 16 : i32
      "tpu.region"() ({
        %run_scoped3A = tpu.sem_alloc : memref<!tpu.dma_semaphore, #tpu.memory_space<semaphore_mem>>
        %dma_start3A_276 = arith.constant 0 : i32
        %dma_start3A_277 = tpu.memref_slice %arg7[%scan3A_22, %dma_start3A_276] : memref<80x16xi32, #tpu.memory_space<vmem>> -> memref<1x16xi32, #tpu.memory_space<vmem>>
        %dma_start3A_278 = tpu.memref_squeeze %dma_start3A_277 : memref<1x16xi32, #tpu.memory_space<vmem>> -> memref<16xi32, #tpu.memory_space<vmem>>
        %dma_start3A_279 = arith.constant 0 : i32
        %dma_start3A_280 = arith.constant 0 : i32
        %dma_start3A_281 = tpu.memref_slice %arg13[%dma_start3A_279, %dma_start3A_280] : memref<10240x128xf32, #tpu.memory_space<vmem_shared>> -> memref<10240x128xf32, #tpu.memory_space<vmem_shared>>
        tpu.enqueue_indirect_dma source(%arg11 : memref<16x128xf32, #tpu.memory_space<vmem>>) target(%dma_start3A_281 : memref<10240x128xf32, #tpu.memory_space<vmem_shared>>) offsets(%dma_start3A_278 : memref<16xi32, #tpu.memory_space<vmem>>) semaphore(%run_scoped3A : memref<!tpu.dma_semaphore, #tpu.memory_space<semaphore_mem>>) {add = true}
        %dma_wait3A_282 = arith.constant 0 : i32
        %dma_wait3A_283 = tpu.memref_slice %arg7[%scan3A_22, %dma_wait3A_282] : memref<80x16xi32, #tpu.memory_space<vmem>> -> memref<1x16xi32, #tpu.memory_space<vmem>>
        %dma_wait3A_284 = tpu.memref_squeeze %dma_wait3A_283 : memref<1x16xi32, #tpu.memory_space<vmem>> -> memref<16xi32, #tpu.memory_space<vmem>>
        %dma_wait3A_285 = arith.constant 0 : i32
        %dma_wait3A_286 = arith.constant 0 : i32
        %dma_wait3A_287 = tpu.memref_slice %arg13[%dma_wait3A_285, %dma_wait3A_286] : memref<10240x128xf32, #tpu.memory_space<vmem_shared>> -> memref<10240x128xf32, #tpu.memory_space<vmem_shared>>
        tpu.wait_indirect_dma semaphore(%run_scoped3A : memref<!tpu.dma_semaphore, #tpu.memory_space<semaphore_mem>>) src(%arg11 : memref<16x128xf32, #tpu.memory_space<vmem>>) dst(%dma_wait3A_287 : memref<10240x128xf32, #tpu.memory_space<vmem_shared>>)
        tpu.yield
      }) : () -> ()
      %scan3A_275 = arith.constant 0 : i32
      scf.yield %scan3A_275 : i32
    }
    %scan3A_20 = arith.constant 80 : i32
    %barrier3A_21 = arith.constant 0 : index
    tpu.barrier barrier_id(%barrier3A_21)
    "tpu.region"() ({
      %run_scoped3A = tpu.sem_alloc : memref<!tpu.dma_semaphore, #tpu.memory_space<semaphore_mem>>
      %dma_start3A = arith.constant 0 : i32
      %dma_start3A_22 = tpu.memref_slice %arg6[%arg0, %mul3A_9, %dma_start3A] : memref<2x10240x128xf32, #tpu.memory_space<hbm>> -> memref<1x640x128xf32, #tpu.memory_space<hbm>>
      %dma_start3A_23 = tpu.memref_squeeze %dma_start3A_22 : memref<1x640x128xf32, #tpu.memory_space<hbm>> -> memref<640x128xf32, #tpu.memory_space<hbm>>
      %dma_start3A_24 = arith.constant 0 : i32
      %dma_start3A_25 = tpu.memref_slice %arg13[%mul3A_9, %dma_start3A_24] : memref<10240x128xf32, #tpu.memory_space<vmem_shared>> -> memref<640x128xf32, #tpu.memory_space<vmem_shared>>
      tpu.enqueue_dma source(%dma_start3A_25 : memref<640x128xf32, #tpu.memory_space<vmem_shared>>) target(%dma_start3A_23 : memref<640x128xf32, #tpu.memory_space<hbm>>) target_semaphore(%run_scoped3A : memref<!tpu.dma_semaphore, #tpu.memory_space<semaphore_mem>>)
      %dma_wait3A = arith.constant 0 : i32
      %dma_wait3A_26 = tpu.memref_slice %arg6[%arg0, %mul3A_9, %dma_wait3A] : memref<2x10240x128xf32, #tpu.memory_space<hbm>> -> memref<1x640x128xf32, #tpu.memory_space<hbm>>
      %dma_wait3A_27 = tpu.memref_squeeze %dma_wait3A_26 : memref<1x640x128xf32, #tpu.memory_space<hbm>> -> memref<640x128xf32, #tpu.memory_space<hbm>>
      %dma_wait3A_28 = arith.constant 0 : i32
      %dma_wait3A_29 = tpu.memref_slice %arg13[%mul3A_9, %dma_wait3A_28] : memref<10240x128xf32, #tpu.memory_space<vmem_shared>> -> memref<640x128xf32, #tpu.memory_space<vmem_shared>>
      tpu.wait_dma2 semaphore(%run_scoped3A : memref<!tpu.dma_semaphore, #tpu.memory_space<semaphore_mem>>) src(%dma_wait3A_29 : memref<640x128xf32, #tpu.memory_space<vmem_shared>>) dst(%dma_wait3A_27 : memref<640x128xf32, #tpu.memory_space<hbm>>)
      tpu.yield
    }) : () -> ()
    return
  }
}

module attributes {stable_mosaic.version = 14 : i64} {
  func.func @_matmul_body(%arg0: i32, %arg1: memref<400x128xf32, #tpu.memory_space<vmem>>, %arg2: memref<128x2048xf32, #tpu.memory_space<vmem>>, %arg3: memref<400x2048xf32, #tpu.memory_space<vmem>>) attributes {dimension_semantics = [#tpu.dimension_semantics<arbitrary>], iteration_bounds = array<i64: 25>, scalar_prefetch = 0 : i64, scratch_operands = 0 : i64, tpu.core_type = #tpu.core_type<tc>, window_params = [{transform_indices = @transform_0, window_bounds = array<i64: 400, 128>}, {pipeline_mode = #tpu.pipeline_mode<synchronous>, transform_indices = @transform_1, window_bounds = array<i64: 128, 2048>}, {transform_indices = @transform_2, window_bounds = array<i64: 400, 2048>}]} {
    %get3A = arith.constant 0 : index
    %get3A_0 = arith.constant 0 : index
    %get3A_1 = vector.load %arg1[%get3A, %get3A_0] : memref<400x128xf32, #tpu.memory_space<vmem>>, vector<400x128xf32>
    %get3A_2 = arith.constant 0 : index
    %get3A_3 = arith.constant 0 : index
    %get3A_4 = vector.load %arg2[%get3A_2, %get3A_3] : memref<128x2048xf32, #tpu.memory_space<vmem>>, vector<128x2048xf32>
    %dot_general3A = arith.constant dense<0.000000e+00> : vector<400x2048xf32>
    %dot_general3A_5 = tpu.matmul %get3A_1, %get3A_4, %dot_general3A {dimension_numbers = #tpu.dot_dimension_numbers<[1], [0], [0], [1], [0, 0, 1, 1], [], []>, transpose_lhs_hint = false} : vector<400x128xf32>, vector<128x2048xf32>, vector<400x2048xf32> -> vector<400x2048xf32>
    %swap3A = arith.constant 0 : index
    %swap3A_6 = arith.constant 0 : index
    %swap3A_7 = vector.load %arg3[%swap3A, %swap3A_6] : memref<400x2048xf32, #tpu.memory_space<vmem>>, vector<400x2048xf32>
    tpu.vector_store %arg3[%swap3A, %swap3A_6], %dot_general3A_5 {strides = array<i32>} : memref<400x2048xf32, #tpu.memory_space<vmem>>, vector<400x2048xf32>,
    return
  }
  func.func @transform_0(%arg0: i32) -> (i32, i32) {
    %c0_i32 = arith.constant 0 : i32
    %c0_i32_0 = arith.constant 0 : i32
    return %arg0, %c0_i32 : i32, i32
  }
  func.func @transform_1(%arg0: i32) -> (i32, i32) {
    %c0_i32 = arith.constant 0 : i32
    %c0_i32_0 = arith.constant 0 : i32
    %c0_i32_1 = arith.constant 0 : i32
    return %c0_i32, %c0_i32_0 : i32, i32
  }
  func.func @transform_2(%arg0: i32) -> (i32, i32) {
    %c0_i32 = arith.constant 0 : i32
    %c0_i32_0 = arith.constant 0 : i32
    return %arg0, %c0_i32 : i32, i32
  }
}

module attributes {stable_mosaic.version = 14 : i64} {
  func.func @_final_body(%arg0: i32, %arg1: memref<2x400x128xf32, #tpu.memory_space<vmem>>, %arg2: memref<400x1xf32, #tpu.memory_space<vmem>>, %arg3: memref<1x256xf32, #tpu.memory_space<vmem>>, %arg4: memref<1x256xf32, #tpu.memory_space<vmem>>, %arg5: memref<256x128xf32, #tpu.memory_space<vmem>>, %arg6: memref<1x128xf32, #tpu.memory_space<vmem>>, %arg7: memref<128x64xf32, #tpu.memory_space<vmem>>, %arg8: memref<1x64xf32, #tpu.memory_space<vmem>>, %arg9: memref<400x64xf32, #tpu.memory_space<vmem>>) attributes {dimension_semantics = [#tpu.dimension_semantics<arbitrary>], iteration_bounds = array<i64: 25>, scalar_prefetch = 0 : i64, scratch_operands = 0 : i64, tpu.core_type = #tpu.core_type<tc>, window_params = [{transform_indices = @transform_0, window_bounds = array<i64: 2, 400, 128>}, {transform_indices = @transform_1, window_bounds = array<i64: 400, 1>}, {pipeline_mode = #tpu.pipeline_mode<synchronous>, transform_indices = @transform_2, window_bounds = array<i64: 1, 256>}, {pipeline_mode = #tpu.pipeline_mode<synchronous>, transform_indices = @transform_3, window_bounds = array<i64: 1, 256>}, {pipeline_mode = #tpu.pipeline_mode<synchronous>, transform_indices = @transform_4, window_bounds = array<i64: 256, 128>}, {pipeline_mode = #tpu.pipeline_mode<synchronous>, transform_indices = @transform_5, window_bounds = array<i64: 1, 128>}, {pipeline_mode = #tpu.pipeline_mode<synchronous>, transform_indices = @transform_6, window_bounds = array<i64: 128, 64>}, {pipeline_mode = #tpu.pipeline_mode<synchronous>, transform_indices = @transform_7, window_bounds = array<i64: 1, 64>}, {transform_indices = @transform_8, window_bounds = array<i64: 400, 64>}]} {
    %get3A = arith.constant 0 : index
    %get3A_0 = arith.constant 0 : index
    %get3A_1 = arith.constant 0 : index
    %get3A_2 = vector.load %arg1[%get3A, %get3A_0, %get3A_1] : memref<2x400x128xf32, #tpu.memory_space<vmem>>, vector<1x400x128xf32>
    %get3A_3 = vector.shape_cast %get3A_2 : vector<1x400x128xf32> to vector<400x128xf32>
    %get3A_4 = arith.constant 1 : index
    %get3A_5 = arith.constant 0 : index
    %get3A_6 = arith.constant 0 : index
    %get3A_7 = vector.load %arg1[%get3A_4, %get3A_5, %get3A_6] : memref<2x400x128xf32, #tpu.memory_space<vmem>>, vector<1x400x128xf32>
    %get3A_8 = vector.shape_cast %get3A_7 : vector<1x400x128xf32> to vector<400x128xf32>
    %add3A = arith.addf %get3A_3, %get3A_8 : vector<400x128xf32>
    %get3A_9 = arith.constant 0 : index
    %get3A_10 = arith.constant 0 : index
    %get3A_11 = vector.load %arg2[%get3A_9, %get3A_10] : memref<400x1xf32, #tpu.memory_space<vmem>>, vector<400x1xf32>
    %get3A_12 = arith.constant 0 : index
    %get3A_13 = arith.constant 0 : index
    %get3A_14 = vector.load %arg3[%get3A_12, %get3A_13] : memref<1x256xf32, #tpu.memory_space<vmem>>, vector<1x256xf32>
    %mul3A = vector.broadcast %get3A_11 : vector<400x1xf32> to vector<400x256xf32>
    %mul3A_15 = vector.broadcast %get3A_14 : vector<1x256xf32> to vector<400x256xf32>
    %mul3A_16 = arith.mulf %mul3A, %mul3A_15 : vector<400x256xf32>
    %get3A_17 = arith.constant 0 : index
    %get3A_18 = arith.constant 0 : index
    %get3A_19 = vector.load %arg4[%get3A_17, %get3A_18] : memref<1x256xf32, #tpu.memory_space<vmem>>, vector<1x256xf32>
    %add3A_20 = vector.broadcast %get3A_19 : vector<1x256xf32> to vector<400x256xf32>
    %add3A_21 = arith.addf %mul3A_16, %add3A_20 : vector<400x256xf32>
    %max3A = arith.constant 0.000000e+00 : f32
    %max3A_22 = vector.broadcast %max3A : f32 to vector<400x256xf32>
    %max3A_23 = arith.maximumf %add3A_21, %max3A_22 : vector<400x256xf32>
    %get3A_24 = arith.constant 0 : index
    %get3A_25 = arith.constant 0 : index
    %get3A_26 = vector.load %arg5[%get3A_24, %get3A_25] : memref<256x128xf32, #tpu.memory_space<vmem>>, vector<256x128xf32>
    %dot_general3A = arith.constant dense<0.000000e+00> : vector<400x128xf32>
    %dot_general3A_27 = tpu.matmul %max3A_23, %get3A_26, %dot_general3A {dimension_numbers = #tpu.dot_dimension_numbers<[1], [0], [0], [1], [0, 0, 1, 1], [], []>, transpose_lhs_hint = false} : vector<400x256xf32>, vector<256x128xf32>, vector<400x128xf32> -> vector<400x128xf32>
    %get3A_28 = arith.constant 0 : index
    %get3A_29 = arith.constant 0 : index
    %get3A_30 = vector.load %arg6[%get3A_28, %get3A_29] : memref<1x128xf32, #tpu.memory_space<vmem>>, vector<1x128xf32>
    %add3A_31 = vector.broadcast %get3A_30 : vector<1x128xf32> to vector<400x128xf32>
    %add3A_32 = arith.addf %dot_general3A_27, %add3A_31 : vector<400x128xf32>
    %mul3A_33 = arith.mulf %add3A, %add3A_32 : vector<400x128xf32>
    %max3A_34 = arith.constant 0.000000e+00 : f32
    %max3A_35 = vector.broadcast %max3A_34 : f32 to vector<400x128xf32>
    %max3A_36 = arith.maximumf %mul3A_33, %max3A_35 : vector<400x128xf32>
    %get3A_37 = arith.constant 0 : index
    %get3A_38 = arith.constant 0 : index
    %get3A_39 = vector.load %arg7[%get3A_37, %get3A_38] : memref<128x64xf32, #tpu.memory_space<vmem>>, vector<128x64xf32>
    %dot_general3A_40 = arith.constant dense<0.000000e+00> : vector<400x64xf32>
    %dot_general3A_41 = tpu.matmul %max3A_36, %get3A_39, %dot_general3A_40 {dimension_numbers = #tpu.dot_dimension_numbers<[1], [0], [0], [1], [0, 0, 1, 1], [], []>, transpose_lhs_hint = false} : vector<400x128xf32>, vector<128x64xf32>, vector<400x64xf32> -> vector<400x64xf32>
    %get3A_42 = arith.constant 0 : index
    %get3A_43 = arith.constant 0 : index
    %get3A_44 = vector.load %arg8[%get3A_42, %get3A_43] : memref<1x64xf32, #tpu.memory_space<vmem>>, vector<1x64xf32>
    %add3A_45 = vector.broadcast %get3A_44 : vector<1x64xf32> to vector<400x64xf32>
    %add3A_46 = arith.addf %dot_general3A_41, %add3A_45 : vector<400x64xf32>
    %swap3A = arith.constant 0 : index
    %swap3A_47 = arith.constant 0 : index
    %swap3A_48 = vector.load %arg9[%swap3A, %swap3A_47] : memref<400x64xf32, #tpu.memory_space<vmem>>, vector<400x64xf32>
    tpu.vector_store %arg9[%swap3A, %swap3A_47], %add3A_46 {strides = array<i32>} : memref<400x64xf32, #tpu.memory_space<vmem>>, vector<400x64xf32>,
    return
  }
  func.func @transform_0(%arg0: i32) -> (i32, i32, i32) {
    %c0_i32 = arith.constant 0 : i32
    %c0_i32_0 = arith.constant 0 : i32
    %c0_i32_1 = arith.constant 0 : i32
    return %c0_i32, %arg0, %c0_i32_0 : i32, i32, i32
  }
  func.func @transform_1(%arg0: i32) -> (i32, i32) {
    %c0_i32 = arith.constant 0 : i32
    %c0_i32_0 = arith.constant 0 : i32
    return %arg0, %c0_i32 : i32, i32
  }
  func.func @transform_2(%arg0: i32) -> (i32, i32) {
    %c0_i32 = arith.constant 0 : i32
    %c0_i32_0 = arith.constant 0 : i32
    %c0_i32_1 = arith.constant 0 : i32
    return %c0_i32, %c0_i32_0 : i32, i32
  }
  func.func @transform_3(%arg0: i32) -> (i32, i32) {
    %c0_i32 = arith.constant 0 : i32
    %c0_i32_0 = arith.constant 0 : i32
    %c0_i32_1 = arith.constant 0 : i32
    return %c0_i32, %c0_i32_0 : i32, i32
  }
  func.func @transform_4(%arg0: i32) -> (i32, i32) {
    %c0_i32 = arith.constant 0 : i32
    %c0_i32_0 = arith.constant 0 : i32
    %c0_i32_1 = arith.constant 0 : i32
    return %c0_i32, %c0_i32_0 : i32, i32
  }
  func.func @transform_5(%arg0: i32) -> (i32, i32) {
    %c0_i32 = arith.constant 0 : i32
    %c0_i32_0 = arith.constant 0 : i32
    %c0_i32_1 = arith.constant 0 : i32
    return %c0_i32, %c0_i32_0 : i32, i32
  }
  func.func @transform_6(%arg0: i32) -> (i32, i32) {
    %c0_i32 = arith.constant 0 : i32
    %c0_i32_0 = arith.constant 0 : i32
    %c0_i32_1 = arith.constant 0 : i32
    return %c0_i32, %c0_i32_0 : i32, i32
  }
  func.func @transform_7(%arg0: i32) -> (i32, i32) {
    %c0_i32 = arith.constant 0 : i32
    %c0_i32_0 = arith.constant 0 : i32
    %c0_i32_1 = arith.constant 0 : i32
    return %c0_i32, %c0_i32_0 : i32, i32
  }
  func.func @transform_8(%arg0: i32) -> (i32, i32) {
    %c0_i32 = arith.constant 0 : i32
    %c0_i32_0 = arith.constant 0 : i32
    return %arg0, %c0_i32 : i32, i32
  }
}

</mosaic_0001>

<sc_bundles>
// kernel: kernel.5.cloned.1.call-start
scs
__scs_entry_jumppad:
0x0: {  	(pc) =	sbr.rel $0x88, $3  }
0x1: {  	(tag) =	ssettag $0x0;
	lr =	simm.s32 $0x1  }
0x2: {  	[smem:$0x3F95] =	sst lr;
	_ =	strace $0xD0000000  }
0x3: {  	_ = 	snop  }
0x4: {  	_ = 	snop  }
0x5: {  	_ = 	snop  }
0x6: {  	_ = 	snop  }
0x7: {  	_ = 	snop  }
__scs_overlays_trampoline_lowered:
0x8: {  	[smem:$0x3FA4] =	sst s0  }
0x9: {  	[smem:$0x3FA5] =	sst s1  }
0xa: {  	[smem:$0x3FA6] =	sst s2  }
0xb: {  	[smem:$0x3FA7] =	sst s3  }
0xc: {  	[smem:$0x3FA8] =	sst s4  }
0xd: {  	[smem:$0x3FA9] =	sst s5  }
0xe: {  	[smem:$0x3FAA] =	sst s6  }
0xf: {  	[smem:$0x3FAB] =	sst s7  }
0x10: {  	[smem:$0x3FAC] =	sst s8  }
0x11: {  	[smem:$0x3FAD] =	sst s9;
	s0 =	simm.s32 @!p0 $0x0  }
0x12: {  	s1 =	sld [smem:$0x3F93];
	s0 =	simm.s32 @p0 $0x1  }
0x13: {  	[smem:$0x3FAE] =	sst s0;
	s0 =	simm.s32 @!p1 $0x0  }
0x14: {  	s2 =	sld [smem:$0x3F92];
	s0 =	simm.s32 @p1 $0x1  }
0x15: {  	[smem:$0x3FAF] =	sst s0;
	s0 =	simm.s32 @!p2 $0x0  }
0x16: {  	s3 =	sld [smem:$0x3FDB];
	s0 =	simm.s32 @p2 $0x1  }
0x17: {  	s4 =	simm.s32 $0x1BF5;
	[smem:$0x3FB1] =	sst s0  }
0x18: {  	s0 =	sld [smem:$0x3F94];
	_ =	swait.ge [sflag:s4], $0x0  }
0x19: {  	s7 =	sld [smem:$0x3F95]  }
0x1a: {  	s8 =	sadd.s32 $0xFFFFE003, lr  }
0x1b: {  	s9 =	sadd.s32 $0xFFFFFEF7, lr;
	s5 =	simm.s32 $0xFFFFFFFF;
	p2 =	slt.u32 s8, $0xFFFFF086  }
0x1c: {  	p1 =	slt.u32 s9, $0xF7A;
	s5 =	simm.s32 @!p2 $0x0  }
0x1d: {  	s5 =	simm.s32 @p1 $0x1;
	p0 =	seq.s32 s7, s2  }
0x1e: {  	s7 =	smul.u32 @!p0 $0xF7A, s2;
	p2 =	seq.s32 @!p0 s5, $0x0  }
0x1f: {  	s9 =	smul.u32 $0xF7A, s1;
	s8 =	simm.s32 @!p0 $0x1BF5;
	p2 =	por !p2, p0  }
0x20: {  	[sflag:s8] =	ssyncset.s32 @!p0 $0xFFFFF086;
	s6 =	sadd.s32 @!p0 s3, s7;
	s7 =	simm.s32 @!p0 $0x108  }
0x21: {  	s3 =	sadd.s32 s3, s9;
	s6 =	sadd.s32 @!p0 $0x88, s6;
	s7 =	simm.s32 @p2 $0x1082  }
0x22: {  	[simem:s7], [sflag:s8] =	dma.local @!p0 [hbm:s6], $0xF7A  }
0x23: {  	s9 =	sor.u32 $0xD0000000, s2;
	s6 =	simm.s32 $0x108;
	_ =	swait.ge @!p0 [sflag:s8], $0x0  }
0x24: {  	s3 =	sadd.s32 $0x88, s3;
	s6 =	simm.s32 @!p1 $0x1082;
	[sflag:s4] =	ssyncset.s32 $0xFFFFF086  }
0x25: {  	[simem:s6], [sflag:s4] =	dma.local [hbm:s3], $0xF7A  }
0x26: {  	[smem:$0x3F95] =	sst s1;
	(tag) =	ssettag s2;
	_ =	strace s9  }
0x27: {  	s1 =	sld [smem:$0x3FA5]  }
0x28: {  	s2 =	sld [smem:$0x3FA6]  }
0x29: {  	s4 =	sld [smem:$0x3FA8]  }
0x2a: {  	p0 =	seq.s32 s5, $0x0;
	s5 =	sld [smem:$0x3FA9]  }
0x2b: {  	s6 =	sld [smem:$0x3FAA]  }
0x2c: {  	s7 =	sld [smem:$0x3FAB]  }
0x2d: {  	s3 =	simm.s32 $0x108;
	s8 =	sld [smem:$0x3FAC]  }
0x2e: {  	s3 =	simm.s32 @!p0 $0x1082;
	s9 =	sld [smem:$0x3FAD]  }
0x2f: {  	lr =	sadd.s32 s0, s3;
	s0 =	sld [smem:$0x3FA4]  }
0x30: {  	s3 =	sld [smem:$0x3FA7]  }
0x31: {  	[smem:$0x3FB0] =	sst s10  }
0x32: {  	s10 =	sld [smem:$0x3FAE];
	_ =	sdelay $0x3  }
0x33: {  	p0 =	seq.s32 s10, $0x1;
	s10 =	sld [smem:$0x3FB0];
	_ =	sdelay $0x3  }
0x34: {  	[smem:$0x3FB0] =	sst s10  }
0x35: {  	s10 =	sld [smem:$0x3FAF];
	_ =	sdelay $0x3  }
0x36: {  	p1 =	seq.s32 s10, $0x1;
	s10 =	sld [smem:$0x3FB0];
	_ =	sdelay $0x3  }
0x37: {  	[smem:$0x3FB0] =	sst s10  }
0x38: {  	s10 =	sld [smem:$0x3FB1]  }
0x39: {  	_ = 	snop;
	(pc) =	sbr.ind lr, $3  }
0x3a: {  	_ = 	snop  }
0x3b: {  	_ = 	snop  }
0x3c: {  	p2 =	seq.s32 s10, $0x1;
	s10 =	sld [smem:$0x3FB0]  }
0x3d: {  	_ =	shalt  }
0x3e: {  	_ =	shalt  }
0x3f: {  	_ =	shalt  }
0x40: {  	_ =	shalt  }
0x41: {  	_ =	shalt  }
0x42: {  	_ =	shalt  }
0x43: {  	_ =	shalt  }
0x44: {  	_ =	shalt  }
0x45: {  	_ =	shalt  }
0x46: {  	_ =	shalt  }
0x47: {  	_ =	shalt  }
0x48: {  	_ =	shalt  }
0x49: {  	_ =	shalt  }
0x4a: {  	_ =	shalt  }
0x4b: {  	_ =	shalt  }
0x4c: {  	_ =	shalt  }
0x4d: {  	_ =	shalt  }
0x4e: {  	_ =	shalt  }
0x4f: {  	_ =	shalt  }
0x50: {  	_ =	shalt  }
0x51: {  	_ =	shalt  }
0x52: {  	_ =	shalt  }
0x53: {  	_ =	shalt  }
0x54: {  	_ =	shalt  }
0x55: {  	_ =	shalt  }
0x56: {  	_ =	shalt  }
0x57: {  	_ =	shalt  }
0x58: {  	_ =	shalt  }
0x59: {  	_ =	shalt  }
0x5a: {  	_ =	shalt  }
0x5b: {  	_ =	shalt  }
0x5c: {  	_ =	shalt  }
0x5d: {  	_ =	shalt  }
0x5e: {  	_ =	shalt  }
0x5f: {  	_ =	shalt  }
0x60: {  	_ =	shalt  }
0x61: {  	_ =	shalt  }
0x62: {  	_ =	shalt  }
0x63: {  	_ =	shalt  }
0x64: {  	_ =	shalt  }
0x65: {  	_ =	shalt  }
0x66: {  	_ =	shalt  }
0x67: {  	_ =	shalt  }
0x68: {  	_ =	shalt  }
0x69: {  	_ =	shalt  }
0x6a: {  	_ =	shalt  }
0x6b: {  	_ =	shalt  }
0x6c: {  	_ =	shalt  }
0x6d: {  	_ =	shalt  }
0x6e: {  	_ =	shalt  }
0x6f: {  	_ =	shalt  }
0x70: {  	_ =	shalt  }
0x71: {  	_ =	shalt  }
0x72: {  	_ =	shalt  }
0x73: {  	_ =	shalt  }
0x74: {  	_ =	shalt  }
0x75: {  	_ =	shalt  }
0x76: {  	_ =	shalt  }
0x77: {  	_ =	shalt  }
0x78: {  	_ =	shalt  }
0x79: {  	_ =	shalt  }
0x7a: {  	_ =	shalt  }
0x7b: {  	_ =	shalt  }
0x7c: {  	_ =	shalt  }
0x7d: {  	_ =	shalt  }
0x7e: {  	_ =	shalt  }
0x7f: {  	_ =	shalt  }
0x80: {  	_ =	shalt  }
0x81: {  	_ =	shalt  }
0x82: {  	_ =	shalt  }
0x83: {  	_ =	shalt  }
0x84: {  	_ =	shalt  }
0x85: {  	_ =	shalt  }
0x86: {  	_ =	shalt  }
0x87: {  	_ =	shalt  }
.Lfunc_end0:
.L_simem_size_0:
called_computation_lowered:
.L_overlay_start_0:
0x88: {  	s2 =	sld [smem:$0x3FD9]  }
0x89: {  	s3 =	sld [smem:$0x3FFE];
	_ =	sdelay $0x1  }
0x8a: {  	s1 =	srdreg.scid  }
0x8b: {  	s0 =	sand.u32 $0x1, s1  }
0x8c: {  	s17 =	sshll.u32 s0, $0xA;
	s2 =	sadd.s32 s3, s2  }
0x8d: {  	s2 =	sadd.s32 s2, s17  }
0x8e: {  	[smem:$0x3FBC] =	sst s2  }
0x8f: {  	_ = 	snop  }
0x90: {  	s2 =	sld [smem:$0x3FC4]  }
0x91: {  	s18 =	sld [smem:$0x3FD0];
	(tm) =	ssettm $0x1  }
0x92: {  	s4 =	sld [smem:$0x3FFB];
	_ =	sdelay $0x3  }
0x93: {  	_ =	strace s4  }
0x94: {  	s4 =	sld [smem:$0x3FFC];
	_ =	sdelay $0x3  }
0x95: {  	_ =	strace s4  }
0x96: {  	s4 =	sld [smem:$0x3FFD];
	_ =	sdelay $0x3  }
0x97: {  	_ =	strace s4  }
0x98: {  	_ =	strace $0x8FFFFFFF  }
0x99: {  	s19 =	sld [smem:$0x3FDB];
	_ =	sdelay $0x1  }
0x9a: {  	s5 =	simm.s32 $_scs_section_size  }
0x9b: {  	s6 =	simm.s32 $_size__tile_overlayer_lowered;
	s7 =	simm.s32 $_tile_overlayer_lowered  }
0x9c: {  	s22 =	simm.s32 $0x1BFF;
	s21 =	sshll.u32 s7, $0x1;
	s4 =	sadd.s32 s5, s19  }
0x9d: {  	s8 =	simm.s32 $0x0;
	s20 =	sshll.u32 s6, $0x1;
	s6 =	sadd.s32 s21, s4  }
0x9e: {  	[timem:s8], [sflag:s22] =	dma.local [hbm:s6], s20  }
0x9f: {  	_ =	swait.ge [sflag:s22], s20  }
0xa0: {  	s5 =	ssub.s32 $0x0, s20;
	[sflag:s22] =	ssyncset.done $0x0  }
0xa1: {  	[sflag:s22] =	ssyncadd.s32 s5;
	_ =	sdelay $0x1  }
0xa2: {  	s23 =	simm.s32 $0x1B8B  }
0xa3: {  	_ =	swait.ge [sflag:s23], $0x1  }
0xa4: {  	[sflag:s23] =	ssyncset.done $0x0  }
0xa5: {  	s25 =	simm.s32 $0x1B8E;
	s24 =	sld [smem:$0x3FFE];
	[sflag:s23] =	ssyncadd.s32 $0xFFFFFFFF  }
0xa6: {  	s26 =	simm.s32 $execute0_lowered;
	[smem:$0x3FD2] =	sst s25  }
0xa7: {  	s6 =	sshll.u32 s26, $0x1;
	_ =	strace $0x80000046;
	[dreg:$0x1] =	wrdreg $0xFFFFFFFF  }
0xa8: {  	s28 =	simm.s32 $_size_execute0_lowered;
	s4 =	sadd.s32 s4, s6;
	[dreg:$0x0] =	wrdreg $0x0  }
0xa9: {  	s6 =	sshll.u32 s28, $0x1;
	[dreg:$0x2] =	wrdreg s4  }
0xaa: {  	[dreg:$0x3] =	wrdreg s6  }
0xab: {  	[dreg:$0x4] =	wrdreg $0xC0  }
0xac: {  	_ =	task [dreg:s8], $0x5FFFF  }
0xad: {  	[dreg:$0x1] =	wrdreg $0xFFFFFFFF  }
0xae: {  	[dreg:$0x0] =	wrdreg $0x60  }
0xaf: {  	[dreg:$0x2] =	wrdreg s24  }
0xb0: {  	[dreg:$0x3] =	wrdreg s18  }
0xb1: {  	[dreg:$0x4] =	wrdreg s2  }
0xb2: {  	[dreg:$0x5] =	wrdreg $0xB2800  }
0xb3: {  	[dreg:$0x6] =	wrdreg $0x9  }
0xb4: {  	_ =	task.clear_ibuf [dreg:s8], $0x7FFFF;
	_ =	strace $0x90000046  }
0xb5: {  	s29 =	simm.s32 $0x9;
	_ =	strace $0x80000048  }
0xb6: {  	_ =	swait.ge [sflag:s29], $0x1  }
0xb7: {  	[sflag:s29] =	ssyncadd.s32 $0xFFFFFFFF  }
0xb8: {  	_ =	strace $0x90000048  }
0xb9: {  	_ =	sfence  }
0xba: {  	s30 =	sld [smem:$0x0];
	_ =	sdelay $0x2  }
0xbb: {  	s31 =	sshll.u32 s1, $0xD;
	s1 =	sshrl.u32 s1, $0x2  }
0xbc: {  	s3 =	sand.u32 $0x4000, s31;
	s1 =	sadd.s32 s1, s30  }
0xbd: {  	s0 =	sor.u32 s3, s0;
	s1 =	sshll.u32 s1, $0x11  }
0xbe: {  	s0 =	sor.u32 s1, s0  }
0xbf: {  	s0 =	sadd.s32 $0x8F2B, s0  }
0xc0: {  	[sflag:s0] =	ssyncadd.remote.s32 $0x1  }
0xc1: {  	_ =	sfence.sel $0xFFFF  }
0xc2: {  	[dreg:$0x0] =	wrdreg $0xFFFFFFFF;
	(pc) =	sbr.abs _section_cstart, $3  }
0xc3: {  	[dreg:$0x1] =	wrdreg $0xFFFFFFFF  }
0xc4: {  	_ =	task.clear_ibuf [dreg:s8], $0x2FFFF;
	_ =	strace $0x9FFFFFFF  }
0xc5: {  	(tm) =	ssettm $0x7FFFFFFF  }
tec
execute0_lowered:
.L_overlay_start_1:
0x0: {  	(tag) =	ssettag $0x1  }
0x1: {  	s0 =	rddreg [dreg:$0x0]  }
0x2: {  	s1 =	rddreg [dreg:$0x1]  }
0x3: {  	s2 =	rddreg [dreg:$0x3];
	s3 =	srdreg.scid;
	s4 =	simm.s32 $0x0  }
0x4: {  	s14 =	simm.s32 $0x2A00;
	s15 =	simm.s32 $0x3;
	s16 =	simm.s32 $0xB200  }
0x5: {  	s17 =	simm.s32 $0x80;
	s18 =	simm.s32 $0x400;
	s19 =	simm.s32 $0x2800  }
0x6: {  	s20 =	simm.s32 $0x2900;
	s21 =	simm.s32 $0x2980;
	s22 =	simm.s32 $0x6A00  }
0x7: {  	s23 =	simm.s32 $0x1;
	s24 =	simm.s32 $0x2;
	s25 =	simm.s32 $0x10  }
0x8: {  	s26 =	simm.s32 $0xAA00;
	s7 =	sand.u32 $0x1, s3;
	s3 =	stileid.u32  }
0x9: {  	[smem:$0x7FF] =	sst s4;
	s5 =	sadd.s32 $0x272A00, s0;
	s6 =	smul.u32 $0x140000, s7  }
0xa: {  	s8 =	smul.u32 $0x14000, s3;
	_ =	strace $0x80000047;
	s10 =	sshll.u32 s7, $0x4  }
0xb: {  	s9 =	smul.u32 $0x50000, s3;
	s11 =	ssub.s32 $0x2, s7;
	s12 =	sor.u32 s3, s10  }
0xc: {  	s31 =	sshrl.u32 s11, $0x1;
	s8 =	sadd.s32 s8, s6;
	s6 =	sadd.s32 $0x1A00, s0  }
0xd: {  	s30 =	sshrl.u32 s9, $0x2;
	s10 =	smul.u32 $0x500, s12;
	s13 =	ssub.s32 s11, s31  }
0xe: {  	s11 =	smul.u32 $0x5000, s12;
	s8 =	sshrl.u32 s8, $0x3;
	s7 =	sadd.s32 s30, s2  }
0xf: {  	s13 =	smax.u32 s13, $0x1;
	s0 =	sadd.s32 s8, s0;
	s8 =	sadd.s32 $0x8000, s7  }
0x10: {  	v0 =	vimm.f32 $0.0e+00;
	v1 =	vlaneseq.u32;
	s9 =	sadd.s32 $0x10000, s7;
	s10 =	sadd.s32 s1, s10;
	s12 =	sadd.s32 $0x15A00, s0  }
.LBB2_1:
0x11: {  	s0 =	simm.s32 $0x0;
	s1 =	simm.s32 $0x200  }
.LBB2_2:
0x12: {  	p0 =	sne.s32 s1, $0x1FE00;
	[tilespmem:s0+$0x2A70] =	vst v0  }
0x13: {  	[tilespmem:s0+$0x2A00] =	vst v0  }
0x14: {  	[tilespmem:s0+$0x2A10] =	vst v0  }
.Ltmp0:
0x15: {  	[tilespmem:s0+$0x2A20] =	vst v0;
	(pc) =	sbr.rel @p0 .LBB2_2-.Ltmp0, $4  }
0x16: {  	[tilespmem:s0+$0x2A30] =	vst v0  }
0x17: {  	[tilespmem:s0+$0x2A40] =	vst v0  }
0x18: {  	[tilespmem:s0+$0x2A50] =	vst v0  }
0x19: {  	[tilespmem:s0+$0x2A60] =	vst v0;
	s0 =	sshra.s32 s1, $0x2;
	s1 =	sadd.s32 $0x200, s1  }
0x1a: {  	[tilespmem:s0+$0x2A70] =	vst v0  }
0x1b: {  	[tilespmem:s0+$0x2A00] =	vst v0  }
0x1c: {  	[tilespmem:s0+$0x2A10] =	vst v0  }
0x1d: {  	[tilespmem:s0+$0x2A20] =	vst v0  }
0x1e: {  	[tilespmem:s0+$0x2A30] =	vst v0  }
0x1f: {  	[tilespmem:s0+$0x2A40] =	vst v0  }
0x20: {  	[tilespmem:s0+$0x2A50] =	vst v0  }
0x21: {  	[tilespmem:s0+$0x2A60] =	vst v0  }
0x22: {  	[spmem:s7] =	stream.linear.scatter [tilespmem:s14], [sflag:$0x3], $0x8000, $0x38;
	[tilespmem:$0x1F280] =	vst v63  }
0x23: {  	_ =	swait.ge [sflag:s15], $0x8000  }
0x24: {  	[sflag:s15] =	ssyncset.done $0x0  }
0x25: {  	[sflag:s15] =	ssyncadd.s32 $0xFFFF8000  }
0x26: {  	[spmem:s8] =	stream.linear.scatter [tilespmem:s14], [sflag:$0x3], $0x8000, $0x38;
	[tilespmem:$0x1F280] =	vst v63  }
0x27: {  	_ =	swait.ge [sflag:s15], $0x8000  }
0x28: {  	[sflag:s15] =	ssyncset.done $0x0  }
0x29: {  	[sflag:s15] =	ssyncadd.s32 $0xFFFF8000  }
0x2a: {  	[spmem:s9] =	stream.linear.scatter [tilespmem:s14], [sflag:$0x3], $0x4000, $0x38;
	[tilespmem:$0x1F280] =	vst v63  }
0x2b: {  	_ =	swait.ge [sflag:s15], $0x4000  }
0x2c: {  	[sflag:s15] =	ssyncset.done $0x0  }
0x2d: {  	[sflag:s15] =	ssyncadd.s32 $0xFFFFC000  }
0x2e: {  	[bflag:$0x0] =	sbarrier.arrive $0xFFFF  }
0x2f: {  	s28 =	simm.s32 $0x0;
	s31 =	rddreg [dreg:$0x2]  }
0x30: {  	[tilespmem:s16], [sflag:$0x3] =	stream.linear.gather [hbm4b:s31+s28], $0x80, $0x38;
	[tilespmem:$0x1F280] =	vst v63  }
0x31: {  	_ =	swait.ge [sflag:s15], $0x80  }
0x32: {  	[sflag:s15] =	ssyncset.done $0x0  }
0x33: {  	[sflag:s15] =	ssyncadd.s32 $0xFFFFFF80  }
0x34: {  	[tilespmem:s28], [sflag:$0x3] =	stream.linear.gather [hbm4b:s10+s28], $0x2800, $0x38;
	[tilespmem:$0x1F280] =	vst v63  }
0x35: {  	_ =	swait.ge [sflag:s15], $0x2800  }
0x36: {  	[sflag:s15] =	ssyncset.done $0x0  }
0x37: {  	[sflag:s15] =	ssyncadd.s32 $0xFFFFD800  }
.LBB2_4:
0x38: {  	s0 =	sshll.u32 s28, $0x8  }
0x39: {  	s29 =	sshll.u32 s28, $0x7;
	s0 =	sand.u32 $0x7800, s0  }
0x3a: {  	s1 =	sand.u32 $0x380, s29;
	s0 =	sadd.s32 s11, s0  }
0x3b: {  	s0 =	sor.u32 s1, s0  }
0x3c: {  	s0 =	sshrl.u32 s0, $0x3  }
0x3d: {  	s0 =	sadd.s32 s6, s0  }
0x3e: {  	[tilespmem:s19], [sflag:$0x3] =	stream.strided.gather [hbm4b:s0+s17], $0x100, s18, s17, $0x38;
	[tilespmem:$0x1F280] =	vst v63  }
0x3f: {  	_ =	swait.ge [sflag:s15], $0x100  }
0x40: {  	[sflag:s15] =	ssyncset.done $0x0  }
0x41: {  	[sflag:s15] =	ssyncadd.s32 $0xFFFFFF00  }
0x42: {  	v2 =	vld [tilespmem:$0x2800]  }
0x43: {  	v3 =	vld [tilespmem:$0x2810]  }
0x44: {  	v4 =	vld [tilespmem:$0x2820]  }
0x45: {  	v5 =	vld [tilespmem:$0x2830]  }
0x46: {  	v6 =	vld [tilespmem:$0x2840]  }
0x47: {  	v7 =	vld [tilespmem:$0x2850];
	v2 =	vshll.u32 v2, $0x4  }
0x48: {  	v8 =	vld [tilespmem:$0x2860];
	v3 =	vshll.u32 v3, $0x4;
	v2 =	vor.u32 v1, v2  }
0x49: {  	[tilespmem:$0x2900] =	vst v2;
	v2 =	vor.u32 v1, v3;
	v3 =	vshll.u32 v4, $0x4;
	v4 =	vld [tilespmem:$0x2870]  }
0x4a: {  	[tilespmem:$0x2910] =	vst v2;
	v2 =	vor.u32 v1, v3;
	v3 =	vshll.u32 v5, $0x4;
	v5 =	vld [tilespmem:$0x2880]  }
0x4b: {  	[tilespmem:$0x2920] =	vst v2;
	v2 =	vor.u32 v1, v3;
	v3 =	vshll.u32 v6, $0x4;
	v6 =	vld [tilespmem:$0x2890]  }
0x4c: {  	[tilespmem:$0x2930] =	vst v2;
	v2 =	vor.u32 v1, v3;
	v3 =	vshll.u32 v7, $0x4;
	v7 =	vld [tilespmem:$0x28A0]  }
0x4d: {  	v63 =	vld [tilespmem:$0x28B0];
	[tilespmem:$0x2940] =	vst v2;
	v2 =	vor.u32 v1, v3;
	v3 =	vshll.u32 v8, $0x4  }
0x4e: {  	[tilespmem:$0x2950] =	vst v2;
	v2 =	vor.u32 v1, v3;
	v3 =	vshll.u32 v4, $0x4;
	v4 =	vld [tilespmem:$0x28C0]  }
0x4f: {  	[tilespmem:$0x2960] =	vst v2;
	v2 =	vor.u32 v1, v3;
	v3 =	vshll.u32 v5, $0x4;
	v5 =	vld [tilespmem:$0x28D0]  }
0x50: {  	[tilespmem:$0x2970] =	vst v2;
	v2 =	vor.u32 v1, v3;
	v3 =	vshll.u32 v6, $0x4;
	v6 =	vld [tilespmem:$0x28E0]  }
0x51: {  	[tilespmem:$0x2980] =	vst v2;
	v2 =	vor.u32 v1, v3;
	v3 =	vshll.u32 v7, $0x4;
	v7 =	vld [tilespmem:$0x28F0]  }
0x52: {  	[tilespmem:$0x2990] =	vst v2;
	v2 =	vor.u32 v1, v3;
	v3 =	vshll.u32 v63, $0x4  }
0x53: {  	[tilespmem:$0x29A0] =	vst v2;
	v2 =	vor.u32 v1, v3;
	v3 =	vshll.u32 v4, $0x4  }
0x54: {  	[tilespmem:$0x29B0] =	vst v2;
	v2 =	vor.u32 v1, v3;
	v3 =	vshll.u32 v5, $0x4  }
0x55: {  	[tilespmem:$0x29C0] =	vst v2;
	v2 =	vor.u32 v1, v3;
	v3 =	vshll.u32 v6, $0x4  }
0x56: {  	[tilespmem:$0x29D0] =	vst v2;
	v2 =	vor.u32 v1, v3;
	v3 =	vshll.u32 v7, $0x4  }
0x57: {  	[tilespmem:$0x29E0] =	vst v2;
	v2 =	vor.u32 v1, v3  }
0x58: {  	[tilespmem:$0x29F0] =	vst v2  }
0x59: {  	[tilespmem:s14], [sflag:$0x1] =	stream.indirect.gather [hbm4b:s5+s17], $0x80, s20, s17, $0xb8;
	[tilespmem:$0x1F280] =	vst v63  }
0x5a: {  	_ = 	snop  }
0x5b: {  	[tilespmem:s22], [sflag:$0x2] =	stream.indirect.gather [hbm4b:s5+s17], $0x80, s21, s17, $0xb8;
	[tilespmem:$0x1F280] =	vst v63  }
0x5c: {  	_ =	swait.ge [sflag:s23], $0x4000  }
0x5d: {  	[sflag:s23] =	ssyncset.done $0x0  }
0x5e: {  	[sflag:s23] =	ssyncadd.s32 $0xFFFFC000  }
0x5f: {  	_ =	swait.ge [sflag:s24], $0x4000  }
0x60: {  	[sflag:s24] =	ssyncset.done $0x0  }
0x61: {  	s30 =	simm.s32 $0x2E00;
	[sflag:s24] =	ssyncadd.s32 $0xFFFFC000  }
0x62: {  	v2 =	vld [tilespmem:s30+$0xFFFFFC80]  }
0x63: {  	v3 =	vld [tilespmem:s30+$0xFFFFFC00];
	_ =	sdelay $0x1  }
0x64: {  	v4 =	vld [tilespmem:s30+$0xFFFFFD00];
	_ =	sdelay $0x1  }
0x65: {  	v5 =	vld [tilespmem:s30+$0xFFFFFD80]  }
0x66: {  	v2 =	vadd.f32 v2, v3  }
0x67: {  	v3 =	vld [tilespmem:s30+$0xFFFFFE00]  }
0x68: {  	v2 =	vadd.f32 v4, v2  }
0x69: {  	v4 =	vld [tilespmem:s30+$0xFFFFFE80]  }
0x6a: {  	v2 =	vadd.f32 v5, v2  }
0x6b: {  	v5 =	vld [tilespmem:s30+$0xFFFFFF00]  }
0x6c: {  	v2 =	vadd.f32 v3, v2  }
0x6d: {  	v3 =	vld [tilespmem:s30+$0xFFFFFF80]  }
0x6e: {  	v2 =	vadd.f32 v4, v2  }
0x6f: {  	v4 =	vld [tilespmem:s30+$0x0]  }
0x70: {  	v2 =	vadd.f32 v5, v2  }
0x71: {  	v5 =	vld [tilespmem:s30+$0x80]  }
0x72: {  	v2 =	vadd.f32 v3, v2  }
0x73: {  	v3 =	vld [tilespmem:s30+$0x100]  }
0x74: {  	v2 =	vadd.f32 v4, v2  }
0x75: {  	v4 =	vld [tilespmem:s30+$0x180]  }
0x76: {  	v2 =	vadd.f32 v5, v2  }
0x77: {  	v5 =	vld [tilespmem:s30+$0x200]  }
0x78: {  	v2 =	vadd.f32 v3, v2  }
0x79: {  	v3 =	vld [tilespmem:s30+$0x280]  }
0x7a: {  	v2 =	vadd.f32 v4, v2  }
0x7b: {  	v4 =	vld [tilespmem:s30+$0x300]  }
0x7c: {  	v2 =	vadd.f32 v5, v2  }
0x7d: {  	v5 =	vld [tilespmem:s30+$0x380]  }
0x7e: {  	v2 =	vadd.f32 v3, v2  }
0x7f: {  	v3 =	vld [tilespmem:$0xB200]  }
0x80: {  	v2 =	vadd.f32 v4, v2;
	_ =	sdelay $0x1  }
0x81: {  	v2 =	vadd.f32 v5, v2;
	_ =	sdelay $0x1  }
0x82: {  	v2 =	vadd.f32 v3, v2;
	_ =	sdelay $0x1  }
0x83: {  	s31 =	simm.s32 $0x0;
	v2 =	vmax.f32 v2, $0.0e+00  }
0x84: {  	[tilespmem:s31+$0xAA00] =	vst v2  }
0x85: {  	v2 =	vld [tilespmem:s30+$0xFFFFFC10]  }
0x86: {  	v3 =	vld [tilespmem:s30+$0xFFFFFC90];
	_ =	sdelay $0x1  }
0x87: {  	v4 =	vld [tilespmem:s30+$0xFFFFFD10];
	_ =	sdelay $0x1  }
0x88: {  	v5 =	vld [tilespmem:s30+$0xFFFFFD90]  }
0x89: {  	v2 =	vadd.f32 v3, v2  }
0x8a: {  	v3 =	vld [tilespmem:s30+$0xFFFFFE10]  }
0x8b: {  	v2 =	vadd.f32 v4, v2  }
0x8c: {  	v4 =	vld [tilespmem:s30+$0xFFFFFE90]  }
0x8d: {  	v2 =	vadd.f32 v5, v2  }
0x8e: {  	v5 =	vld [tilespmem:s30+$0xFFFFFF10]  }
0x8f: {  	v2 =	vadd.f32 v3, v2  }
0x90: {  	v3 =	vld [tilespmem:s30+$0xFFFFFF90]  }
0x91: {  	v2 =	vadd.f32 v4, v2  }
0x92: {  	v4 =	vld [tilespmem:s30+$0x10]  }
0x93: {  	v2 =	vadd.f32 v5, v2  }
0x94: {  	v5 =	vld [tilespmem:s30+$0x90]  }
0x95: {  	v2 =	vadd.f32 v3, v2  }
0x96: {  	v3 =	vld [tilespmem:s30+$0x110]  }
0x97: {  	v2 =	vadd.f32 v4, v2  }
0x98: {  	v4 =	vld [tilespmem:s30+$0x190]  }
0x99: {  	v2 =	vadd.f32 v5, v2  }
0x9a: {  	v5 =	vld [tilespmem:s30+$0x210]  }
0x9b: {  	v2 =	vadd.f32 v3, v2  }
0x9c: {  	v3 =	vld [tilespmem:s30+$0x290]  }
0x9d: {  	v2 =	vadd.f32 v4, v2  }
0x9e: {  	v4 =	vld [tilespmem:s30+$0x310]  }
0x9f: {  	v2 =	vadd.f32 v5, v2  }
0xa0: {  	v5 =	vld [tilespmem:s30+$0x390]  }
0xa1: {  	v2 =	vadd.f32 v3, v2  }
0xa2: {  	v3 =	vld [tilespmem:$0xB210]  }
0xa3: {  	v2 =	vadd.f32 v4, v2;
	_ =	sdelay $0x1  }
0xa4: {  	v2 =	vadd.f32 v5, v2;
	_ =	sdelay $0x1  }
0xa5: {  	v2 =	vadd.f32 v3, v2;
	_ =	sdelay $0x1  }
0xa6: {  	v2 =	vmax.f32 v2, $0.0e+00  }
0xa7: {  	[tilespmem:s31+$0xAA10] =	vst v2  }
0xa8: {  	v2 =	vld [tilespmem:s30+$0xFFFFFC20]  }
0xa9: {  	v3 =	vld [tilespmem:s30+$0xFFFFFCA0];
	_ =	sdelay $0x1  }
0xaa: {  	v4 =	vld [tilespmem:s30+$0xFFFFFD20];
	_ =	sdelay $0x1  }
0xab: {  	v5 =	vld [tilespmem:s30+$0xFFFFFDA0]  }
0xac: {  	v2 =	vadd.f32 v3, v2  }
0xad: {  	v3 =	vld [tilespmem:s30+$0xFFFFFE20]  }
0xae: {  	v2 =	vadd.f32 v4, v2  }
0xaf: {  	v4 =	vld [tilespmem:s30+$0xFFFFFEA0]  }
0xb0: {  	v2 =	vadd.f32 v5, v2  }
0xb1: {  	v5 =	vld [tilespmem:s30+$0xFFFFFF20]  }
0xb2: {  	v2 =	vadd.f32 v3, v2  }
0xb3: {  	v3 =	vld [tilespmem:s30+$0xFFFFFFA0]  }
0xb4: {  	v2 =	vadd.f32 v4, v2  }
0xb5: {  	v4 =	vld [tilespmem:s30+$0x20]  }
0xb6: {  	v2 =	vadd.f32 v5, v2  }
0xb7: {  	v5 =	vld [tilespmem:s30+$0xA0]  }
0xb8: {  	v2 =	vadd.f32 v3, v2  }
0xb9: {  	v3 =	vld [tilespmem:s30+$0x120]  }
0xba: {  	v2 =	vadd.f32 v4, v2  }
0xbb: {  	v4 =	vld [tilespmem:s30+$0x1A0]  }
0xbc: {  	v2 =	vadd.f32 v5, v2  }
0xbd: {  	v5 =	vld [tilespmem:s30+$0x220]  }
0xbe: {  	v2 =	vadd.f32 v3, v2  }
0xbf: {  	v3 =	vld [tilespmem:s30+$0x2A0]  }
0xc0: {  	v2 =	vadd.f32 v4, v2  }
0xc1: {  	v4 =	vld [tilespmem:s30+$0x320]  }
0xc2: {  	v2 =	vadd.f32 v5, v2  }
0xc3: {  	v5 =	vld [tilespmem:s30+$0x3A0]  }
0xc4: {  	v2 =	vadd.f32 v3, v2  }
0xc5: {  	v3 =	vld [tilespmem:$0xB220]  }
0xc6: {  	v2 =	vadd.f32 v4, v2;
	_ =	sdelay $0x1  }
0xc7: {  	v2 =	vadd.f32 v5, v2;
	_ =	sdelay $0x1  }
0xc8: {  	v2 =	vadd.f32 v3, v2;
	_ =	sdelay $0x1  }
0xc9: {  	v2 =	vmax.f32 v2, $0.0e+00  }
0xca: {  	[tilespmem:s31+$0xAA20] =	vst v2  }
0xcb: {  	v2 =	vld [tilespmem:s30+$0xFFFFFC30]  }
0xcc: {  	v3 =	vld [tilespmem:s30+$0xFFFFFCB0];
	_ =	sdelay $0x1  }
0xcd: {  	v4 =	vld [tilespmem:s30+$0xFFFFFD30];
	_ =	sdelay $0x1  }
0xce: {  	v5 =	vld [tilespmem:s30+$0xFFFFFDB0]  }
0xcf: {  	v2 =	vadd.f32 v3, v2  }
0xd0: {  	v3 =	vld [tilespmem:s30+$0xFFFFFE30]  }
0xd1: {  	v2 =	vadd.f32 v4, v2  }
0xd2: {  	v4 =	vld [tilespmem:s30+$0xFFFFFEB0]  }
0xd3: {  	v2 =	vadd.f32 v5, v2  }
0xd4: {  	v5 =	vld [tilespmem:s30+$0xFFFFFF30]  }
0xd5: {  	v2 =	vadd.f32 v3, v2  }
0xd6: {  	v3 =	vld [tilespmem:s30+$0xFFFFFFB0]  }
0xd7: {  	v2 =	vadd.f32 v4, v2  }
0xd8: {  	v4 =	vld [tilespmem:s30+$0x30]  }
0xd9: {  	v2 =	vadd.f32 v5, v2  }
0xda: {  	v5 =	vld [tilespmem:s30+$0xB0]  }
0xdb: {  	v2 =	vadd.f32 v3, v2  }
0xdc: {  	v3 =	vld [tilespmem:s30+$0x130]  }
0xdd: {  	v2 =	vadd.f32 v4, v2  }
0xde: {  	v4 =	vld [tilespmem:s30+$0x1B0]  }
0xdf: {  	v2 =	vadd.f32 v5, v2  }
0xe0: {  	v5 =	vld [tilespmem:s30+$0x230]  }
0xe1: {  	v2 =	vadd.f32 v3, v2  }
0xe2: {  	v3 =	vld [tilespmem:s30+$0x2B0]  }
0xe3: {  	v2 =	vadd.f32 v4, v2  }
0xe4: {  	v4 =	vld [tilespmem:s30+$0x330]  }
0xe5: {  	v2 =	vadd.f32 v5, v2  }
0xe6: {  	v5 =	vld [tilespmem:s30+$0x3B0]  }
0xe7: {  	v2 =	vadd.f32 v3, v2  }
0xe8: {  	v3 =	vld [tilespmem:$0xB230]  }
0xe9: {  	v2 =	vadd.f32 v4, v2;
	_ =	sdelay $0x1  }
0xea: {  	v2 =	vadd.f32 v5, v2;
	_ =	sdelay $0x1  }
0xeb: {  	v2 =	vadd.f32 v3, v2;
	_ =	sdelay $0x1  }
0xec: {  	v2 =	vmax.f32 v2, $0.0e+00  }
0xed: {  	[tilespmem:s31+$0xAA30] =	vst v2  }
0xee: {  	v2 =	vld [tilespmem:s30+$0xFFFFFC40]  }
0xef: {  	v3 =	vld [tilespmem:s30+$0xFFFFFCC0];
	_ =	sdelay $0x1  }
0xf0: {  	v4 =	vld [tilespmem:s30+$0xFFFFFD40];
	_ =	sdelay $0x1  }
0xf1: {  	v5 =	vld [tilespmem:s30+$0xFFFFFDC0]  }
0xf2: {  	v2 =	vadd.f32 v3, v2  }
0xf3: {  	v3 =	vld [tilespmem:s30+$0xFFFFFE40]  }
0xf4: {  	v2 =	vadd.f32 v4, v2  }
0xf5: {  	v4 =	vld [tilespmem:s30+$0xFFFFFEC0]  }
0xf6: {  	v2 =	vadd.f32 v5, v2  }
0xf7: {  	v5 =	vld [tilespmem:s30+$0xFFFFFF40]  }
0xf8: {  	v2 =	vadd.f32 v3, v2  }
0xf9: {  	v3 =	vld [tilespmem:s30+$0xFFFFFFC0]  }
0xfa: {  	v2 =	vadd.f32 v4, v2  }
0xfb: {  	v4 =	vld [tilespmem:s30+$0x40]  }
0xfc: {  	v2 =	vadd.f32 v5, v2  }
0xfd: {  	v5 =	vld [tilespmem:s30+$0xC0]  }
0xfe: {  	v2 =	vadd.f32 v3, v2  }
0xff: {  	v3 =	vld [tilespmem:s30+$0x140]  }
0x100: {  	v2 =	vadd.f32 v4, v2  }
0x101: {  	v4 =	vld [tilespmem:s30+$0x1C0]  }
0x102: {  	v2 =	vadd.f32 v5, v2  }
0x103: {  	v5 =	vld [tilespmem:s30+$0x240]  }
0x104: {  	v2 =	vadd.f32 v3, v2  }
0x105: {  	v3 =	vld [tilespmem:s30+$0x2C0]  }
0x106: {  	v2 =	vadd.f32 v4, v2  }
0x107: {  	v4 =	vld [tilespmem:s30+$0x340]  }
0x108: {  	v2 =	vadd.f32 v5, v2  }
0x109: {  	v5 =	vld [tilespmem:s30+$0x3C0]  }
0x10a: {  	v2 =	vadd.f32 v3, v2  }
0x10b: {  	v3 =	vld [tilespmem:$0xB240]  }
0x10c: {  	v2 =	vadd.f32 v4, v2;
	_ =	sdelay $0x1  }
0x10d: {  	v2 =	vadd.f32 v5, v2;
	_ =	sdelay $0x1  }
0x10e: {  	v2 =	vadd.f32 v3, v2;
	_ =	sdelay $0x1  }
0x10f: {  	v2 =	vmax.f32 v2, $0.0e+00  }
0x110: {  	[tilespmem:s31+$0xAA40] =	vst v2  }
0x111: {  	v2 =	vld [tilespmem:s30+$0xFFFFFC50]  }
0x112: {  	v3 =	vld [tilespmem:s30+$0xFFFFFCD0];
	_ =	sdelay $0x1  }
0x113: {  	v4 =	vld [tilespmem:s30+$0xFFFFFD50];
	_ =	sdelay $0x1  }
0x114: {  	v5 =	vld [tilespmem:s30+$0xFFFFFDD0]  }
0x115: {  	v2 =	vadd.f32 v3, v2  }
0x116: {  	v3 =	vld [tilespmem:s30+$0xFFFFFE50]  }
0x117: {  	v2 =	vadd.f32 v4, v2  }
0x118: {  	v4 =	vld [tilespmem:s30+$0xFFFFFED0]  }
0x119: {  	v2 =	vadd.f32 v5, v2  }
0x11a: {  	v5 =	vld [tilespmem:s30+$0xFFFFFF50]  }
0x11b: {  	v2 =	vadd.f32 v3, v2  }
0x11c: {  	v3 =	vld [tilespmem:s30+$0xFFFFFFD0]  }
0x11d: {  	v2 =	vadd.f32 v4, v2  }
0x11e: {  	v4 =	vld [tilespmem:s30+$0x50]  }
0x11f: {  	v2 =	vadd.f32 v5, v2  }
0x120: {  	v5 =	vld [tilespmem:s30+$0xD0]  }
0x121: {  	v2 =	vadd.f32 v3, v2  }
0x122: {  	v3 =	vld [tilespmem:s30+$0x150]  }
0x123: {  	v2 =	vadd.f32 v4, v2  }
0x124: {  	v4 =	vld [tilespmem:s30+$0x1D0]  }
0x125: {  	v2 =	vadd.f32 v5, v2  }
0x126: {  	v5 =	vld [tilespmem:s30+$0x250]  }
0x127: {  	v2 =	vadd.f32 v3, v2  }
0x128: {  	v3 =	vld [tilespmem:s30+$0x2D0]  }
0x129: {  	v2 =	vadd.f32 v4, v2  }
0x12a: {  	v4 =	vld [tilespmem:s30+$0x350]  }
0x12b: {  	v2 =	vadd.f32 v5, v2  }
0x12c: {  	v5 =	vld [tilespmem:s30+$0x3D0]  }
0x12d: {  	v2 =	vadd.f32 v3, v2  }
0x12e: {  	v3 =	vld [tilespmem:$0xB250]  }
0x12f: {  	v2 =	vadd.f32 v4, v2;
	_ =	sdelay $0x1  }
0x130: {  	v2 =	vadd.f32 v5, v2;
	_ =	sdelay $0x1  }
0x131: {  	v2 =	vadd.f32 v3, v2;
	_ =	sdelay $0x1  }
0x132: {  	v2 =	vmax.f32 v2, $0.0e+00  }
0x133: {  	[tilespmem:s31+$0xAA50] =	vst v2  }
0x134: {  	v2 =	vld [tilespmem:s30+$0xFFFFFC60]  }
0x135: {  	v3 =	vld [tilespmem:s30+$0xFFFFFCE0];
	_ =	sdelay $0x1  }
0x136: {  	v4 =	vld [tilespmem:s30+$0xFFFFFD60];
	_ =	sdelay $0x1  }
0x137: {  	v5 =	vld [tilespmem:s30+$0xFFFFFDE0]  }
0x138: {  	v2 =	vadd.f32 v3, v2  }
0x139: {  	v3 =	vld [tilespmem:s30+$0xFFFFFE60]  }
0x13a: {  	v2 =	vadd.f32 v4, v2  }
0x13b: {  	v4 =	vld [tilespmem:s30+$0xFFFFFEE0]  }
0x13c: {  	v2 =	vadd.f32 v5, v2  }
0x13d: {  	v5 =	vld [tilespmem:s30+$0xFFFFFF60]  }
0x13e: {  	v2 =	vadd.f32 v3, v2  }
0x13f: {  	v3 =	vld [tilespmem:s30+$0xFFFFFFE0]  }
0x140: {  	v2 =	vadd.f32 v4, v2  }
0x141: {  	v4 =	vld [tilespmem:s30+$0x60]  }
0x142: {  	v2 =	vadd.f32 v5, v2  }
0x143: {  	v5 =	vld [tilespmem:s30+$0xE0]  }
0x144: {  	v2 =	vadd.f32 v3, v2  }
0x145: {  	v3 =	vld [tilespmem:s30+$0x160]  }
0x146: {  	v2 =	vadd.f32 v4, v2  }
0x147: {  	v4 =	vld [tilespmem:s30+$0x1E0]  }
0x148: {  	v2 =	vadd.f32 v5, v2  }
0x149: {  	v5 =	vld [tilespmem:s30+$0x260]  }
0x14a: {  	v2 =	vadd.f32 v3, v2  }
0x14b: {  	v3 =	vld [tilespmem:s30+$0x2E0]  }
0x14c: {  	v2 =	vadd.f32 v4, v2  }
0x14d: {  	v4 =	vld [tilespmem:s30+$0x360]  }
0x14e: {  	v2 =	vadd.f32 v5, v2  }
0x14f: {  	v5 =	vld [tilespmem:s30+$0x3E0]  }
0x150: {  	v2 =	vadd.f32 v3, v2  }
0x151: {  	v3 =	vld [tilespmem:$0xB260]  }
0x152: {  	v2 =	vadd.f32 v4, v2;
	_ =	sdelay $0x1  }
0x153: {  	v2 =	vadd.f32 v5, v2;
	_ =	sdelay $0x1  }
0x154: {  	v2 =	vadd.f32 v3, v2;
	_ =	sdelay $0x1  }
0x155: {  	v2 =	vmax.f32 v2, $0.0e+00  }
0x156: {  	[tilespmem:s31+$0xAA60] =	vst v2  }
0x157: {  	v2 =	vld [tilespmem:s30+$0xFFFFFC70]  }
0x158: {  	v3 =	vld [tilespmem:s30+$0xFFFFFCF0];
	_ =	sdelay $0x1  }
0x159: {  	v4 =	vld [tilespmem:s30+$0xFFFFFD70];
	_ =	sdelay $0x1  }
0x15a: {  	v5 =	vld [tilespmem:s30+$0xFFFFFDF0]  }
0x15b: {  	v2 =	vadd.f32 v3, v2  }
0x15c: {  	v3 =	vld [tilespmem:s30+$0xFFFFFE70]  }
0x15d: {  	v2 =	vadd.f32 v4, v2  }
0x15e: {  	v4 =	vld [tilespmem:s30+$0xFFFFFEF0]  }
0x15f: {  	v2 =	vadd.f32 v5, v2  }
0x160: {  	v5 =	vld [tilespmem:s30+$0xFFFFFF70]  }
0x161: {  	v2 =	vadd.f32 v3, v2  }
0x162: {  	v3 =	vld [tilespmem:s30+$0xFFFFFFF0]  }
0x163: {  	v2 =	vadd.f32 v4, v2  }
0x164: {  	v4 =	vld [tilespmem:s30+$0x70]  }
0x165: {  	v2 =	vadd.f32 v5, v2  }
0x166: {  	v5 =	vld [tilespmem:s30+$0xF0]  }
0x167: {  	v2 =	vadd.f32 v3, v2  }
0x168: {  	v3 =	vld [tilespmem:s30+$0x170]  }
0x169: {  	v2 =	vadd.f32 v4, v2  }
0x16a: {  	v4 =	vld [tilespmem:s30+$0x1F0]  }
0x16b: {  	v2 =	vadd.f32 v5, v2  }
0x16c: {  	v5 =	vld [tilespmem:s30+$0x270]  }
0x16d: {  	v2 =	vadd.f32 v3, v2  }
0x16e: {  	v6 =	vld [tilespmem:s30+$0x2F0]  }
0x16f: {  	v3 =	vadd.f32 v4, v2;
	_ =	sdelay $0x1  }
0x170: {  	v2 =	vld [tilespmem:s30+$0x370];
	v5 =	vadd.f32 v5, v3  }
0x171: {  	v4 =	vld [tilespmem:$0xB270]  }
0x172: {  	s0 =	simm.s32 $0x200;
	v3 =	vld [tilespmem:s30+$0x3F0];
	v5 =	vadd.f32 v6, v5  }
.LBB2_5:
0x173: {  	p0 =	sne.s32 s0, $0x1E00  }
0x174: {  	s30 =	sadd.s32 $0x800, s30;
	s1 =	smov.u32 s0;
	s0 =	sadd.s32 $0x200, s0  }
0x175: {  	v2 =	vadd.f32 v2, v5;
	_ =	sdelay $0x1  }
0x176: {  	v2 =	vadd.f32 v3, v2;
	_ =	sdelay $0x1  }
0x177: {  	v2 =	vadd.f32 v4, v2;
	_ =	sdelay $0x1  }
0x178: {  	v2 =	vmax.f32 v2, $0.0e+00  }
0x179: {  	[tilespmem:s31+$0xAA70] =	vst v2  }
0x17a: {  	v2 =	vld [tilespmem:s30+$0xFFFFFC80]  }
0x17b: {  	v3 =	vld [tilespmem:s30+$0xFFFFFC00]  }
0x17c: {  	v4 =	vld [tilespmem:s30+$0xFFFFFD00];
	_ =	sdelay $0x2  }
0x17d: {  	v5 =	vld [tilespmem:s30+$0xFFFFFD80]  }
0x17e: {  	v2 =	vadd.f32 v2, v3  }
0x17f: {  	v3 =	vld [tilespmem:s30+$0xFFFFFE00]  }
0x180: {  	v2 =	vadd.f32 v4, v2  }
0x181: {  	v4 =	vld [tilespmem:s30+$0xFFFFFE80]  }
0x182: {  	v2 =	vadd.f32 v5, v2  }
0x183: {  	v5 =	vld [tilespmem:s30+$0xFFFFFF00]  }
0x184: {  	v2 =	vadd.f32 v3, v2  }
0x185: {  	v3 =	vld [tilespmem:s30+$0xFFFFFF80]  }
0x186: {  	v2 =	vadd.f32 v4, v2  }
0x187: {  	v4 =	vld [tilespmem:s30+$0x0]  }
0x188: {  	v2 =	vadd.f32 v5, v2  }
0x189: {  	v5 =	vld [tilespmem:s30+$0x80]  }
0x18a: {  	v2 =	vadd.f32 v3, v2  }
0x18b: {  	v3 =	vld [tilespmem:s30+$0x100]  }
0x18c: {  	v2 =	vadd.f32 v4, v2  }
0x18d: {  	v4 =	vld [tilespmem:s30+$0x180]  }
0x18e: {  	v2 =	vadd.f32 v5, v2  }
0x18f: {  	v5 =	vld [tilespmem:s30+$0x200]  }
0x190: {  	v2 =	vadd.f32 v3, v2  }
0x191: {  	v3 =	vld [tilespmem:s30+$0x280]  }
0x192: {  	v2 =	vadd.f32 v4, v2  }
0x193: {  	v4 =	vld [tilespmem:s30+$0x300]  }
0x194: {  	v2 =	vadd.f32 v5, v2  }
0x195: {  	v5 =	vld [tilespmem:s30+$0x380]  }
0x196: {  	v2 =	vadd.f32 v3, v2  }
0x197: {  	v3 =	vld [tilespmem:$0xB200]  }
0x198: {  	v2 =	vadd.f32 v4, v2;
	_ =	sdelay $0x1  }
0x199: {  	v2 =	vadd.f32 v5, v2;
	_ =	sdelay $0x1  }
0x19a: {  	v2 =	vadd.f32 v3, v2;
	_ =	sdelay $0x1  }
0x19b: {  	s31 =	sshra.s32 s1, $0x2;
	v2 =	vmax.f32 v2, $0.0e+00  }
0x19c: {  	[tilespmem:s31+$0xAA00] =	vst v2  }
0x19d: {  	v2 =	vld [tilespmem:s30+$0xFFFFFC10]  }
0x19e: {  	v3 =	vld [tilespmem:s30+$0xFFFFFC90];
	_ =	sdelay $0x1  }
0x19f: {  	v4 =	vld [tilespmem:s30+$0xFFFFFD10];
	_ =	sdelay $0x1  }
0x1a0: {  	v5 =	vld [tilespmem:s30+$0xFFFFFD90]  }
0x1a1: {  	v2 =	vadd.f32 v3, v2  }
0x1a2: {  	v3 =	vld [tilespmem:s30+$0xFFFFFE10]  }
0x1a3: {  	v2 =	vadd.f32 v4, v2  }
0x1a4: {  	v4 =	vld [tilespmem:s30+$0xFFFFFE90]  }
0x1a5: {  	v2 =	vadd.f32 v5, v2  }
0x1a6: {  	v5 =	vld [tilespmem:s30+$0xFFFFFF10]  }
0x1a7: {  	v2 =	vadd.f32 v3, v2  }
0x1a8: {  	v3 =	vld [tilespmem:s30+$0xFFFFFF90]  }
0x1a9: {  	v2 =	vadd.f32 v4, v2  }
0x1aa: {  	v4 =	vld [tilespmem:s30+$0x10]  }
0x1ab: {  	v2 =	vadd.f32 v5, v2  }
0x1ac: {  	v5 =	vld [tilespmem:s30+$0x90]  }
0x1ad: {  	v2 =	vadd.f32 v3, v2  }
0x1ae: {  	v3 =	vld [tilespmem:s30+$0x110]  }
0x1af: {  	v2 =	vadd.f32 v4, v2  }
0x1b0: {  	v4 =	vld [tilespmem:s30+$0x190]  }
0x1b1: {  	v2 =	vadd.f32 v5, v2  }
0x1b2: {  	v5 =	vld [tilespmem:s30+$0x210]  }
0x1b3: {  	v2 =	vadd.f32 v3, v2  }
0x1b4: {  	v3 =	vld [tilespmem:s30+$0x290]  }
0x1b5: {  	v2 =	vadd.f32 v4, v2  }
0x1b6: {  	v4 =	vld [tilespmem:s30+$0x310]  }
0x1b7: {  	v2 =	vadd.f32 v5, v2  }
0x1b8: {  	v5 =	vld [tilespmem:s30+$0x390]  }
0x1b9: {  	v2 =	vadd.f32 v3, v2  }
0x1ba: {  	v3 =	vld [tilespmem:$0xB210]  }
0x1bb: {  	v2 =	vadd.f32 v4, v2;
	_ =	sdelay $0x1  }
0x1bc: {  	v2 =	vadd.f32 v5, v2;
	_ =	sdelay $0x1  }
0x1bd: {  	v2 =	vadd.f32 v3, v2;
	_ =	sdelay $0x1  }
0x1be: {  	v2 =	vmax.f32 v2, $0.0e+00  }
0x1bf: {  	[tilespmem:s31+$0xAA10] =	vst v2  }
0x1c0: {  	v2 =	vld [tilespmem:s30+$0xFFFFFC20]  }
0x1c1: {  	v3 =	vld [tilespmem:s30+$0xFFFFFCA0];
	_ =	sdelay $0x1  }
0x1c2: {  	v4 =	vld [tilespmem:s30+$0xFFFFFD20];
	_ =	sdelay $0x1  }
0x1c3: {  	v5 =	vld [tilespmem:s30+$0xFFFFFDA0]  }
0x1c4: {  	v2 =	vadd.f32 v3, v2  }
0x1c5: {  	v3 =	vld [tilespmem:s30+$0xFFFFFE20]  }
0x1c6: {  	v2 =	vadd.f32 v4, v2  }
0x1c7: {  	v4 =	vld [tilespmem:s30+$0xFFFFFEA0]  }
0x1c8: {  	v2 =	vadd.f32 v5, v2  }
0x1c9: {  	v5 =	vld [tilespmem:s30+$0xFFFFFF20]  }
0x1ca: {  	v2 =	vadd.f32 v3, v2  }
0x1cb: {  	v3 =	vld [tilespmem:s30+$0xFFFFFFA0]  }
0x1cc: {  	v2 =	vadd.f32 v4, v2  }
0x1cd: {  	v4 =	vld [tilespmem:s30+$0x20]  }
0x1ce: {  	v2 =	vadd.f32 v5, v2  }
0x1cf: {  	v5 =	vld [tilespmem:s30+$0xA0]  }
0x1d0: {  	v2 =	vadd.f32 v3, v2  }
0x1d1: {  	v3 =	vld [tilespmem:s30+$0x120]  }
0x1d2: {  	v2 =	vadd.f32 v4, v2  }
0x1d3: {  	v4 =	vld [tilespmem:s30+$0x1A0]  }
0x1d4: {  	v2 =	vadd.f32 v5, v2  }
0x1d5: {  	v5 =	vld [tilespmem:s30+$0x220]  }
0x1d6: {  	v2 =	vadd.f32 v3, v2  }
0x1d7: {  	v3 =	vld [tilespmem:s30+$0x2A0]  }
0x1d8: {  	v2 =	vadd.f32 v4, v2  }
0x1d9: {  	v4 =	vld [tilespmem:s30+$0x320]  }
0x1da: {  	v2 =	vadd.f32 v5, v2  }
0x1db: {  	v5 =	vld [tilespmem:s30+$0x3A0]  }
0x1dc: {  	v2 =	vadd.f32 v3, v2  }
0x1dd: {  	v3 =	vld [tilespmem:$0xB220]  }
0x1de: {  	v2 =	vadd.f32 v4, v2;
	_ =	sdelay $0x1  }
0x1df: {  	v2 =	vadd.f32 v5, v2;
	_ =	sdelay $0x1  }
0x1e0: {  	v2 =	vadd.f32 v3, v2;
	_ =	sdelay $0x1  }
0x1e1: {  	v2 =	vmax.f32 v2, $0.0e+00  }
0x1e2: {  	[tilespmem:s31+$0xAA20] =	vst v2  }
0x1e3: {  	v2 =	vld [tilespmem:s30+$0xFFFFFC30]  }
0x1e4: {  	v3 =	vld [tilespmem:s30+$0xFFFFFCB0]  }
0x1e5: {  	v4 =	vld [tilespmem:s30+$0xFFFFFD30];
	_ =	sdelay $0x2  }
0x1e6: {  	v5 =	vld [tilespmem:s30+$0xFFFFFDB0]  }
0x1e7: {  	v2 =	vadd.f32 v3, v2  }
0x1e8: {  	v3 =	vld [tilespmem:s30+$0xFFFFFE30]  }
0x1e9: {  	v2 =	vadd.f32 v4, v2  }
0x1ea: {  	v4 =	vld [tilespmem:s30+$0xFFFFFEB0]  }
0x1eb: {  	v2 =	vadd.f32 v5, v2  }
0x1ec: {  	v5 =	vld [tilespmem:s30+$0xFFFFFF30]  }
0x1ed: {  	v2 =	vadd.f32 v3, v2  }
0x1ee: {  	v3 =	vld [tilespmem:s30+$0xFFFFFFB0]  }
0x1ef: {  	v2 =	vadd.f32 v4, v2  }
0x1f0: {  	v4 =	vld [tilespmem:s30+$0x30]  }
0x1f1: {  	v2 =	vadd.f32 v5, v2  }
0x1f2: {  	v5 =	vld [tilespmem:s30+$0xB0]  }
0x1f3: {  	v2 =	vadd.f32 v3, v2  }
0x1f4: {  	v3 =	vld [tilespmem:s30+$0x130]  }
0x1f5: {  	v2 =	vadd.f32 v4, v2  }
0x1f6: {  	v4 =	vld [tilespmem:s30+$0x1B0]  }
0x1f7: {  	v2 =	vadd.f32 v5, v2  }
0x1f8: {  	v5 =	vld [tilespmem:s30+$0x230]  }
0x1f9: {  	v2 =	vadd.f32 v3, v2  }
0x1fa: {  	v3 =	vld [tilespmem:s30+$0x2B0]  }
0x1fb: {  	v2 =	vadd.f32 v4, v2  }
0x1fc: {  	v4 =	vld [tilespmem:s30+$0x330]  }
0x1fd: {  	v2 =	vadd.f32 v5, v2  }
0x1fe: {  	v5 =	vld [tilespmem:s30+$0x3B0]  }
0x1ff: {  	v2 =	vadd.f32 v3, v2  }
0x200: {  	v3 =	vld [tilespmem:$0xB230]  }
0x201: {  	v2 =	vadd.f32 v4, v2;
	_ =	sdelay $0x1  }
0x202: {  	v2 =	vadd.f32 v5, v2;
	_ =	sdelay $0x1  }
0x203: {  	v2 =	vadd.f32 v3, v2;
	_ =	sdelay $0x1  }
0x204: {  	v2 =	vmax.f32 v2, $0.0e+00  }
0x205: {  	[tilespmem:s31+$0xAA30] =	vst v2  }
0x206: {  	v2 =	vld [tilespmem:s30+$0xFFFFFC40]  }
0x207: {  	v3 =	vld [tilespmem:s30+$0xFFFFFCC0];
	_ =	sdelay $0x1  }
0x208: {  	v4 =	vld [tilespmem:s30+$0xFFFFFD40];
	_ =	sdelay $0x1  }
0x209: {  	v5 =	vld [tilespmem:s30+$0xFFFFFDC0]  }
0x20a: {  	v2 =	vadd.f32 v3, v2  }
0x20b: {  	v3 =	vld [tilespmem:s30+$0xFFFFFE40]  }
0x20c: {  	v2 =	vadd.f32 v4, v2  }
0x20d: {  	v4 =	vld [tilespmem:s30+$0xFFFFFEC0]  }
0x20e: {  	v2 =	vadd.f32 v5, v2  }
0x20f: {  	v5 =	vld [tilespmem:s30+$0xFFFFFF40]  }
0x210: {  	v2 =	vadd.f32 v3, v2  }
0x211: {  	v3 =	vld [tilespmem:s30+$0xFFFFFFC0]  }
0x212: {  	v2 =	vadd.f32 v4, v2  }
0x213: {  	v4 =	vld [tilespmem:s30+$0x40]  }
0x214: {  	v2 =	vadd.f32 v5, v2  }
0x215: {  	v5 =	vld [tilespmem:s30+$0xC0]  }
0x216: {  	v2 =	vadd.f32 v3, v2  }
0x217: {  	v3 =	vld [tilespmem:s30+$0x140]  }
0x218: {  	v2 =	vadd.f32 v4, v2  }
0x219: {  	v4 =	vld [tilespmem:s30+$0x1C0]  }
0x21a: {  	v2 =	vadd.f32 v5, v2  }
0x21b: {  	v5 =	vld [tilespmem:s30+$0x240]  }
0x21c: {  	v2 =	vadd.f32 v3, v2  }
0x21d: {  	v3 =	vld [tilespmem:s30+$0x2C0]  }
0x21e: {  	v2 =	vadd.f32 v4, v2  }
0x21f: {  	v4 =	vld [tilespmem:s30+$0x340]  }
0x220: {  	v2 =	vadd.f32 v5, v2  }
0x221: {  	v5 =	vld [tilespmem:s30+$0x3C0]  }
0x222: {  	v2 =	vadd.f32 v3, v2  }
0x223: {  	v3 =	vld [tilespmem:$0xB240]  }
0x224: {  	v2 =	vadd.f32 v4, v2;
	_ =	sdelay $0x1  }
0x225: {  	v2 =	vadd.f32 v5, v2;
	_ =	sdelay $0x1  }
0x226: {  	v2 =	vadd.f32 v3, v2;
	_ =	sdelay $0x1  }
0x227: {  	v2 =	vmax.f32 v2, $0.0e+00  }
0x228: {  	[tilespmem:s31+$0xAA40] =	vst v2  }
0x229: {  	v2 =	vld [tilespmem:s30+$0xFFFFFC50]  }
0x22a: {  	v3 =	vld [tilespmem:s30+$0xFFFFFCD0]  }
0x22b: {  	v4 =	vld [tilespmem:s30+$0xFFFFFD50]  }
0x22c: {  	v5 =	vld [tilespmem:s30+$0xFFFFFDD0]  }
0x22d: {  	v6 =	vld [tilespmem:s30+$0xFFFFFE50]  }
0x22e: {  	v7 =	vld [tilespmem:s30+$0xFFFFFED0]  }
0x22f: {  	v2 =	vadd.f32 v3, v2;
	v3 =	vld [tilespmem:s30+$0xFFFFFF50]  }
0x230: {  	v8 =	vld [tilespmem:s30+$0xFFFFFFD0]  }
0x231: {  	v2 =	vadd.f32 v4, v2;
	v4 =	vld [tilespmem:s30+$0x50]  }
0x232: {  	v9 =	vld [tilespmem:s30+$0xD0]  }
0x233: {  	v2 =	vadd.f32 v5, v2;
	v5 =	vld [tilespmem:s30+$0x150]  }
0x234: {  	v10 =	vld [tilespmem:s30+$0x1D0]  }
0x235: {  	v2 =	vadd.f32 v6, v2;
	v6 =	vld [tilespmem:s30+$0x250]  }
0x236: {  	v11 =	vld [tilespmem:s30+$0x2D0]  }
0x237: {  	v2 =	vadd.f32 v7, v2;
	v7 =	vld [tilespmem:s30+$0x350]  }
0x238: {  	v12 =	vld [tilespmem:s30+$0x3D0]  }
0x239: {  	v2 =	vadd.f32 v3, v2;
	v3 =	vld [tilespmem:$0xB250];
	_ =	sdelay $0x1  }
0x23a: {  	v2 =	vadd.f32 v8, v2;
	_ =	sdelay $0x1  }
0x23b: {  	v2 =	vadd.f32 v4, v2;
	_ =	sdelay $0x1  }
0x23c: {  	v2 =	vadd.f32 v9, v2;
	_ =	sdelay $0x1  }
0x23d: {  	v2 =	vadd.f32 v5, v2;
	_ =	sdelay $0x1  }
0x23e: {  	v2 =	vadd.f32 v10, v2;
	_ =	sdelay $0x1  }
0x23f: {  	v2 =	vadd.f32 v6, v2;
	_ =	sdelay $0x1  }
0x240: {  	v2 =	vadd.f32 v11, v2;
	_ =	sdelay $0x1  }
0x241: {  	v2 =	vadd.f32 v7, v2;
	_ =	sdelay $0x1  }
0x242: {  	v2 =	vadd.f32 v12, v2;
	_ =	sdelay $0x1  }
0x243: {  	v2 =	vadd.f32 v3, v2;
	_ =	sdelay $0x1  }
0x244: {  	v2 =	vmax.f32 v2, $0.0e+00  }
0x245: {  	[tilespmem:s31+$0xAA50] =	vst v2  }
0x246: {  	v2 =	vld [tilespmem:s30+$0xFFFFFC60]  }
0x247: {  	v3 =	vld [tilespmem:s30+$0xFFFFFCE0]  }
0x248: {  	v4 =	vld [tilespmem:s30+$0xFFFFFD60]  }
0x249: {  	v5 =	vld [tilespmem:s30+$0xFFFFFDE0]  }
0x24a: {  	v6 =	vld [tilespmem:s30+$0xFFFFFE60]  }
0x24b: {  	v7 =	vld [tilespmem:s30+$0xFFFFFEE0]  }
0x24c: {  	v2 =	vadd.f32 v3, v2;
	v3 =	vld [tilespmem:s30+$0xFFFFFF60]  }
0x24d: {  	v8 =	vld [tilespmem:s30+$0xFFFFFFE0]  }
0x24e: {  	v2 =	vadd.f32 v4, v2;
	v4 =	vld [tilespmem:s30+$0x60]  }
0x24f: {  	v9 =	vld [tilespmem:s30+$0xE0]  }
0x250: {  	v2 =	vadd.f32 v5, v2;
	v5 =	vld [tilespmem:s30+$0x160]  }
0x251: {  	v10 =	vld [tilespmem:s30+$0x1E0]  }
0x252: {  	v2 =	vadd.f32 v6, v2;
	v6 =	vld [tilespmem:s30+$0x260]  }
0x253: {  	v11 =	vld [tilespmem:s30+$0x2E0]  }
0x254: {  	v2 =	vadd.f32 v7, v2;
	v7 =	vld [tilespmem:s30+$0x360]  }
0x255: {  	v12 =	vld [tilespmem:s30+$0x3E0]  }
0x256: {  	v2 =	vadd.f32 v3, v2;
	v3 =	vld [tilespmem:$0xB260];
	_ =	sdelay $0x1  }
0x257: {  	v2 =	vadd.f32 v8, v2;
	_ =	sdelay $0x1  }
0x258: {  	v2 =	vadd.f32 v4, v2;
	_ =	sdelay $0x1  }
0x259: {  	v2 =	vadd.f32 v9, v2;
	_ =	sdelay $0x1  }
0x25a: {  	v2 =	vadd.f32 v5, v2;
	_ =	sdelay $0x1  }
0x25b: {  	v2 =	vadd.f32 v10, v2;
	_ =	sdelay $0x1  }
0x25c: {  	v2 =	vadd.f32 v6, v2;
	_ =	sdelay $0x1  }
0x25d: {  	v2 =	vadd.f32 v11, v2;
	_ =	sdelay $0x1  }
0x25e: {  	v2 =	vadd.f32 v7, v2;
	_ =	sdelay $0x1  }
0x25f: {  	v2 =	vadd.f32 v12, v2;
	_ =	sdelay $0x1  }
0x260: {  	v2 =	vadd.f32 v3, v2;
	_ =	sdelay $0x1  }
0x261: {  	v2 =	vmax.f32 v2, $0.0e+00  }
0x262: {  	[tilespmem:s31+$0xAA60] =	vst v2  }
0x263: {  	v2 =	vld [tilespmem:s30+$0xFFFFFC70]  }
0x264: {  	v3 =	vld [tilespmem:s30+$0xFFFFFCF0]  }
0x265: {  	v4 =	vld [tilespmem:s30+$0xFFFFFD70]  }
0x266: {  	v5 =	vld [tilespmem:s30+$0xFFFFFDF0]  }
0x267: {  	v6 =	vld [tilespmem:s30+$0xFFFFFE70]  }
0x268: {  	v7 =	vld [tilespmem:s30+$0xFFFFFEF0]  }
0x269: {  	v2 =	vadd.f32 v3, v2;
	v8 =	vld [tilespmem:s30+$0xFFFFFF70]  }
0x26a: {  	v9 =	vld [tilespmem:s30+$0xFFFFFFF0]  }
0x26b: {  	v2 =	vadd.f32 v4, v2;
	v10 =	vld [tilespmem:s30+$0x70]  }
0x26c: {  	v11 =	vld [tilespmem:s30+$0xF0]  }
0x26d: {  	v2 =	vadd.f32 v5, v2;
	v5 =	vld [tilespmem:s30+$0x170]  }
0x26e: {  	v12 =	vld [tilespmem:s30+$0x1F0]  }
0x26f: {  	v2 =	vadd.f32 v6, v2;
	v6 =	vld [tilespmem:s30+$0x270]  }
0x270: {  	v13 =	vld [tilespmem:s30+$0x2F0]  }
0x271: {  	v4 =	vadd.f32 v7, v2;
	v2 =	vld [tilespmem:s30+$0x370]  }
0x272: {  	v3 =	vld [tilespmem:s30+$0x3F0]  }
0x273: {  	v7 =	vadd.f32 v8, v4;
	v4 =	vld [tilespmem:$0xB270];
	_ =	sdelay $0x1  }
0x274: {  	v7 =	vadd.f32 v9, v7;
	_ =	sdelay $0x1  }
0x275: {  	v7 =	vadd.f32 v10, v7;
	_ =	sdelay $0x1  }
0x276: {  	v7 =	vadd.f32 v11, v7;
	_ =	sdelay $0x1  }
0x277: {  	v5 =	vadd.f32 v5, v7;
	_ =	sdelay $0x1  }
.Ltmp1:
0x278: {  	v5 =	vadd.f32 v12, v5;
	(pc) =	sbr.rel @p0 .LBB2_5-.Ltmp1, $3  }
0x279: {  	_ = 	snop  }
0x27a: {  	v5 =	vadd.f32 v6, v5;
	_ =	sdelay $0x1  }
0x27b: {  	v5 =	vadd.f32 v13, v5  }
0x27c: {  	_ = 	snop  }
0x27d: {  	v2 =	vadd.f32 v2, v5;
	_ =	sdelay $0x1  }
0x27e: {  	v2 =	vadd.f32 v3, v2;
	_ =	sdelay $0x1  }
0x27f: {  	v2 =	vadd.f32 v4, v2  }
0x280: {  	s28 =	sadd.s32 $0x1, s28  }
0x281: {  	p0 =	sne.s32 s28, $0x50;
	v2 =	vmax.f32 v2, $0.0e+00  }
.Ltmp2:
0x282: {  	s0 =	sand.u32 $0x3FFFFF80, s29;
	[tilespmem:s31+$0xAA70] =	vst v2;
	(pc) =	sbr.rel @p0 .LBB2_4-.Ltmp2, $4  }
0x283: {  	[spmem:s2] =	stream.indirect.scatter.add.f32 [tilespmem:s26], [sflag:$0x3], $0x80, s0, s25, $0xb8;
	[tilespmem:$0x1F280] =	vst v63  }
0x284: {  	_ =	swait.ge [sflag:s15], $0x800  }
0x285: {  	[sflag:s15] =	ssyncset.done $0x0  }
0x286: {  	[sflag:s15] =	ssyncadd.s32 $0xFFFFF800  }
0x287: {  	s4 =	sadd.s32 $0x1, s4  }
0x288: {  	s0 =	sshll.u32 s3, $0x6;
	[bflag:$0x0] =	sbarrier.arrive $0xFFFF;
	p0 =	sne.s32 s4, s13  }
.Ltmp3:
0x289: {  	s1 =	sshrl.u32 s7, $0x3;
	s0 =	sor.u32 $0x1C03, s0;
	(pc) =	sbr.rel @p0 .LBB2_1-.Ltmp3, $4  }
0x28a: {  	[hbm:s12], [sflag:s0] =	dma.local [spmem:s1], $0x2800  }
0x28b: {  	_ =	swait.ge [sflag:s15], $0x2800  }
0x28c: {  	[sflag:s15] =	ssyncset.done $0x0  }
0x28d: {  	[sflag:s15] =	ssyncadd.s32 $0xFFFFD800  }
0x28e: {  	_ =	sfence.sel $0x180000  }
0x28f: {  	[bflag:$0x0] =	sbarrier.arrive $0xFFFF  }
0x290: {  	_ =	strace $0x90000047  }
0x291: {  	[bflag:$0x2] =	sbarrier.arrive $0xFFFF  }
0x292: {  	p0 =	sne.s32 s3, $0x0;
	s0 =	rddreg [dreg:$0x4]  }
0x293: {  	s0 =	sadd.s32 @!p0 $0x100000, s0  }
0x294: {  	[sflag:s0] =	ssyncadd.tile.s32 @!p0 $0x1;
	_ =	shalt  }
.Lfunc_end2:
_tile_overlayer_lowered:
.L_overlay_start_2:
0x295: {  	(tag) =	ssettag $0x2  }
0x296: {  	s0 =	rddreg [dreg:$0x0];
	s2 =	stileid.u32  }
0x297: {  	s1 =	rddreg [dreg:$0x1];
	p0 =	sne.s32 s2, $0x0  }
0x298: {  	s3 =	rddreg [dreg:$0x2];
	[bflag:$0x3] =	sbarrier.arrive $0xFFFF;
	s2 =	simm.s32 @!p0 $0x1C03  }
0x299: {  	[timem:s3], [sflag:s2] =	dma.local @!p0 [hbm:s0], s1  }
0x29a: {  	s0 =	simm.s32 @!p0 $0x3  }
0x29b: {  	_ =	swait.ge @!p0 [sflag:s0], s1  }
0x29c: {  	s1 =	ssub.s32 @!p0 $0x0, s1;
	[sflag:s0] =	ssyncset.done @!p0 $0x0  }
0x29d: {  	[sflag:s0] =	ssyncadd.s32 @!p0 s1  }
0x29e: {  	[bflag:$0x3] =	sbarrier.arrive $0xFFFF  }
0x29f: {  	_ =	shalt  }

</sc_bundles>
